<compile_context>
chip_gen: v7x
topology: tpu7x:2x2x1
jax: 0.10.2.dev20260603
libtpu: 0.0.44.dev20260713+nightly
codegen_flags: <defaults>
</compile_context>

<pallas_src>
import functools

import jax
import jax.numpy as jnp
from jax import lax
from jax.experimental import pallas as pl
from jax.experimental.pallas import tpu as pltpu
from jax.experimental.pallas import tpu_sc as plsc

L = 4
D = 1024
F = 4096
H = 16
V = 16000
S = 2048
HD = D // H
EPS = 1e-3
SCALE = 1.0 / (HD ** 0.5)

NC = 2
NS = 16
NW = NC * NS
BPW = S // NW

BSR = 256
NR = S // BSR
BQA = 512
NRA = S // BQA
VB = 3200
NVB = V // VB



def _sc_gather_body(table_hbm, idx_hbm, out_hbm, idx_v, rows_v, sem):
    wid = lax.axis_index("s") * NC + lax.axis_index("c")
    base = wid * BPW
    pltpu.sync_copy(idx_hbm.at[pl.ds(base, BPW)], idx_v)
    pltpu.async_copy(table_hbm.at[idx_v], rows_v, sem).wait()
    pltpu.sync_copy(rows_v, out_hbm.at[pl.ds(base, BPW)])


def _sc_gather(table, idx):
    return pl.kernel(
        _sc_gather_body,
        out_type=jax.ShapeDtypeStruct((S, D), jnp.float32),
        mesh=plsc.VectorSubcoreMesh(core_axis_name="c", subcore_axis_name="s"),
        scratch_types=[
            pltpu.VMEM((BPW,), jnp.int32),
            pltpu.VMEM((BPW, D), jnp.float32),
            pltpu.SemaphoreType.DMA,
        ],
    )(table, idx)



def _add_body(a_ref, b_ref, o_ref):
    o_ref[...] = a_ref[...] + b_ref[...]


def _posadd(emb, pos):
    return pl.pallas_call(
        _add_body,
        out_shape=jax.ShapeDtypeStruct((S, D), jnp.float32),
    )(emb, pos)


def _qkv0_body(e_ref, pos_ref, wq_ref, wk_ref, wv_ref, bq_ref, bk_ref, bv_ref,
               x_ref, q_ref, k_ref, v_ref):
    x0 = e_ref[...] + pos_ref[...]
    x_ref[...] = x0
    x = x0.astype(jnp.bfloat16)
    q = jnp.dot(x, wq_ref[...], preferred_element_type=jnp.float32) + bq_ref[...]
    k = jnp.dot(x, wk_ref[...], preferred_element_type=jnp.float32) + bk_ref[...]
    v = jnp.dot(x, wv_ref[...], preferred_element_type=jnp.float32) + bv_ref[...]
    q_ref[...] = q.astype(jnp.bfloat16)
    k_ref[...] = k.astype(jnp.bfloat16)
    v_ref[...] = v.astype(jnp.bfloat16)


def _qkv0(e, pos, wq, wk, wv, bq, bk, bv):
    w_spec = pl.BlockSpec((D, D), lambda i: (0, 0))
    b_spec = pl.BlockSpec((1, D), lambda i: (0, 0))
    r_spec = pl.BlockSpec((BSR, D), lambda i: (i, 0))
    return pl.pallas_call(
        _qkv0_body,
        grid=(NR,),
        in_specs=[r_spec, r_spec, w_spec, w_spec, w_spec, b_spec, b_spec, b_spec],
        out_specs=[r_spec, r_spec, r_spec, r_spec],
        out_shape=[jax.ShapeDtypeStruct((S, D), jnp.float32)]
        + [jax.ShapeDtypeStruct((S, D), jnp.bfloat16)] * 3,
    )(e, pos, wq, wk, wv, bq, bk, bv)


def _qkv_body(x_ref, wq_ref, wk_ref, wv_ref, bq_ref, bk_ref, bv_ref,
              q_ref, k_ref, v_ref):
    x = x_ref[...].astype(jnp.bfloat16)
    q = jnp.dot(x, wq_ref[...], preferred_element_type=jnp.float32) + bq_ref[...]
    k = jnp.dot(x, wk_ref[...], preferred_element_type=jnp.float32) + bk_ref[...]
    v = jnp.dot(x, wv_ref[...], preferred_element_type=jnp.float32) + bv_ref[...]
    q_ref[...] = q.astype(jnp.bfloat16)
    k_ref[...] = k.astype(jnp.bfloat16)
    v_ref[...] = v.astype(jnp.bfloat16)


def _qkv(x, wq, wk, wv, bq, bk, bv):
    w_spec = pl.BlockSpec((D, D), lambda i: (0, 0))
    b_spec = pl.BlockSpec((1, D), lambda i: (0, 0))
    r_spec = pl.BlockSpec((BSR, D), lambda i: (i, 0))
    return pl.pallas_call(
        _qkv_body,
        grid=(NR,),
        in_specs=[r_spec, w_spec, w_spec, w_spec, b_spec, b_spec, b_spec],
        out_specs=[r_spec, r_spec, r_spec],
        out_shape=[jax.ShapeDtypeStruct((S, D), jnp.bfloat16)] * 3,
    )(x, wq, wk, wv, bq, bk, bv)


def _attn_body(q_ref, k_ref, v_ref, o_ref):
    i = pl.program_id(1)
    q = q_ref[0]

    def _tile(j):
        off = pl.multiple_of(j * BQA, BQA)
        kj = k_ref[0, pl.ds(off, BQA), :]
        vj = v_ref[0, pl.ds(off, BQA), :]
        s = lax.dot_general(q, kj, (((1,), (1,)), ((), ())),
                            preferred_element_type=jnp.float32) * SCALE
        return s, vj

    def body(j, carry):
        acc, l = carry
        s, vj = _tile(j)
        p = jnp.exp(s)
        l = l + jnp.sum(p, axis=-1, keepdims=True)
        acc = acc + jnp.dot(p.astype(jnp.bfloat16), vj,
                            preferred_element_type=jnp.float32)
        return acc, l

    acc0 = jnp.zeros((BQA, HD), jnp.float32)
    l0 = jnp.zeros((BQA, 1), jnp.float32)
    acc, l = lax.fori_loop(0, i, body, (acc0, l0))

    s, vj = _tile(i)
    rows = lax.broadcasted_iota(jnp.int32, (BQA, BQA), 0)
    cols = lax.broadcasted_iota(jnp.int32, (BQA, BQA), 1)
    p = jnp.where(cols <= rows, jnp.exp(s), 0.0)
    l = l + jnp.sum(p, axis=-1, keepdims=True)
    acc = acc + jnp.dot(p.astype(jnp.bfloat16), vj,
                        preferred_element_type=jnp.float32)
    o_ref[0] = (acc / l).astype(jnp.bfloat16)


def _attention(qh, kh, vh):
    qo_spec = pl.BlockSpec((1, BQA, HD), lambda h, i: (h, i, 0))
    kv_spec = pl.BlockSpec((1, S, HD), lambda h, i: (h, 0, 0))
    return pl.pallas_call(
        _attn_body,
        grid=(H, NRA),
        in_specs=[qo_spec, kv_spec, kv_spec],
        out_specs=qo_spec,
        out_shape=jax.ShapeDtypeStruct((H, S, HD), jnp.bfloat16),
    )(qh, kh, vh)


def _layernorm(t, g, b):
    mu = jnp.mean(t, axis=-1, keepdims=True)
    var = jnp.mean(jnp.square(t - mu), axis=-1, keepdims=True)
    return (t - mu) / jnp.sqrt(var + EPS) * g + b


def _block_body(o_ref, wo_ref, bo_ref, x_ref, g1_ref, b1g_ref,
                w1_ref, b1_ref, w2_ref, b2_ref, g2_ref, b2g_ref, out_ref):
    t = jnp.dot(o_ref[...], wo_ref[...], preferred_element_type=jnp.float32)
    t = t + bo_ref[...] + x_ref[...]
    y = _layernorm(t, g1_ref[...], b1g_ref[...])
    h = jnp.dot(y.astype(jnp.bfloat16), w1_ref[...],
                preferred_element_type=jnp.float32) + b1_ref[...]
    h = jnp.maximum(h, 0.0)
    t2 = jnp.dot(h.astype(jnp.bfloat16), w2_ref[...],
                 preferred_element_type=jnp.float32)
    t2 = t2 + b2_ref[...] + y
    out_ref[...] = _layernorm(t2, g2_ref[...], b2g_ref[...])


def _block_tail(o, wo, bo, x, g1, b1g, w1, b1, w2, b2, g2, b2g):
    r_spec = pl.BlockSpec((BSR, D), lambda i: (i, 0))
    bD_spec = pl.BlockSpec((1, D), lambda i: (0, 0))
    return pl.pallas_call(
        _block_body,
        grid=(NR,),
        in_specs=[
            r_spec,
            pl.BlockSpec((D, D), lambda i: (0, 0)),
            bD_spec, r_spec, bD_spec, bD_spec,
            pl.BlockSpec((D, F), lambda i: (0, 0)),
            pl.BlockSpec((1, F), lambda i: (0, 0)),
            pl.BlockSpec((F, D), lambda i: (0, 0)),
            bD_spec, bD_spec, bD_spec,
        ],
        out_specs=r_spec,
        out_shape=jax.ShapeDtypeStruct((S, D), jnp.float32),
    )(o, wo, bo, x, g1, b1g, w1, b1, w2, b2, g2, b2g)


def _out_body(x_ref, w_ref, b_ref, o_ref):
    o_ref[...] = (jnp.dot(x_ref[...].astype(jnp.bfloat16), w_ref[...],
                          preferred_element_type=jnp.float32) + b_ref[...])


def _outproj(x, wout, bout):
    return pl.pallas_call(
        _out_body,
        grid=(NVB, NR),
        in_specs=[
            pl.BlockSpec((BSR, D), lambda j, i: (i, 0)),
            pl.BlockSpec((D, VB), lambda j, i: (0, j)),
            pl.BlockSpec((1, VB), lambda j, i: (0, j)),
        ],
        out_specs=pl.BlockSpec((BSR, VB), lambda j, i: (i, j)),
        out_shape=jax.ShapeDtypeStruct((S, V), jnp.float32),
    )(x, wout, bout)



def _tc_forward(emb, pos, p):
    bf = jnp.bfloat16
    x = None
    for l in range(L):
        if l == 0:
            x, q, k, v = _qkv0(emb, pos,
                               p['Wq'][l].astype(bf), p['Wk'][l].astype(bf),
                               p['Wv'][l].astype(bf), p['bq'][l][None, :],
                               p['bk'][l][None, :], p['bv'][l][None, :])
        else:
            q, k, v = _qkv(x, p['Wq'][l].astype(bf), p['Wk'][l].astype(bf),
                           p['Wv'][l].astype(bf), p['bq'][l][None, :],
                           p['bk'][l][None, :], p['bv'][l][None, :])
        qh = q.reshape(S, H, HD).transpose(1, 0, 2)
        kh = k.reshape(S, H, HD).transpose(1, 0, 2)
        vh = v.reshape(S, H, HD).transpose(1, 0, 2)
        oh = _attention(qh, kh, vh)
        o = oh.transpose(1, 0, 2).reshape(S, D)
        x = _block_tail(o, p['Wo'][l].astype(bf), p['bo'][l][None, :], x,
                        p['ln1_g'][l][None, :], p['ln1_b'][l][None, :],
                        p['W1'][l].astype(bf), p['b1'][l][None, :],
                        p['W2'][l].astype(bf), p['b2'][l][None, :],
                        p['ln2_g'][l][None, :], p['ln2_b'][l][None, :])
    logits = _outproj(x, p['Wout'].astype(bf), p['bout'][None, :])
    return logits, x


def kernel(inputs, params):
    b, s = inputs.shape
    idx = inputs.reshape(-1)
    emb = _sc_gather(params['tok_emb'], idx)
    logits, x = _tc_forward(emb, params['pos_emb'], params)
    return logits[None, :, :], x[None, :, :]

# --- scband reference (transcript-rebuilt; emitter-appended) ---
"""Pipeline reference for scband-simple-transformer-73873437491464 (READ-ONLY COPY).

The authoritative reference and input builder live on the scoring server;
editing this copy changes nothing except your own understanding.
"""

import jax, jax.numpy as jnp
import numpy as np

L = 4; D = 1024; F = 4096; H = 16; V = 16000; S = 2048; B = 1
HD = D // H


def _layernorm(x, g, b, eps=1e-3):
    mu = jnp.mean(x, axis=-1, keepdims=True)
    var = jnp.mean(jnp.square(x - mu), axis=-1, keepdims=True)
    return (x - mu) / jnp.sqrt(var + eps) * g + b


def setup_inputs(seed: int = 0) -> dict:
    key = jax.random.key(seed)
    ks = jax.random.split(key, 16)
    it = iter(ks)
    def nrm(shape, scale=0.02):
        return (jax.random.normal(next(it), shape, dtype=jnp.float32) * scale)
    params = {
        'tok_emb': nrm((V, D)),
        'pos_emb': nrm((S, D)),
        'Wq': nrm((L, D, D)), 'bq': jnp.zeros((L, D), jnp.float32),
        'Wk': nrm((L, D, D)), 'bk': jnp.zeros((L, D), jnp.float32),
        'Wv': nrm((L, D, D)), 'bv': jnp.zeros((L, D), jnp.float32),
        'Wo': nrm((L, D, D)), 'bo': jnp.zeros((L, D), jnp.float32),
        'ln1_g': jnp.ones((L, D), jnp.float32), 'ln1_b': jnp.zeros((L, D), jnp.float32),
        'W1': nrm((L, D, F)), 'b1': jnp.zeros((L, F), jnp.float32),
        'W2': nrm((L, F, D)), 'b2': jnp.zeros((L, D), jnp.float32),
        'ln2_g': jnp.ones((L, D), jnp.float32), 'ln2_b': jnp.zeros((L, D), jnp.float32),
        'Wout': nrm((D, V)), 'bout': jnp.zeros((V,), jnp.float32),
    }
    inputs = jax.random.randint(next(it), (B, S), 0, V, dtype=jnp.int32)
    return {'inputs': inputs, 'params': params}


def _forward(inputs, p):
    b, s = inputs.shape
    x = p['tok_emb'][inputs] + p['pos_emb'][None, :s, :]
    mask = jnp.tril(jnp.ones((s, s), dtype=bool))
    for l in range(L):
        q = (x @ p['Wq'][l] + p['bq'][l]).reshape(b, s, H, HD).transpose(0, 2, 1, 3)
        k = (x @ p['Wk'][l] + p['bk'][l]).reshape(b, s, H, HD).transpose(0, 2, 1, 3)
        v = (x @ p['Wv'][l] + p['bv'][l]).reshape(b, s, H, HD).transpose(0, 2, 1, 3)
        scores = jnp.einsum('bhqd,bhkd->bhqk', q, k) / jnp.sqrt(jnp.float32(HD))
        scores = jnp.where(mask[None, None, :, :], scores, jnp.float32(-1e9))
        attn = jax.nn.softmax(scores, axis=-1)
        o = jnp.einsum('bhqk,bhkd->bhqd', attn, v).transpose(0, 2, 1, 3).reshape(b, s, D)
        attn_out = o @ p['Wo'][l] + p['bo'][l]
        x = _layernorm(x + attn_out, p['ln1_g'][l], p['ln1_b'][l])
        h = jax.nn.relu(x @ p['W1'][l] + p['b1'][l]) @ p['W2'][l] + p['b2'][l]
        x = _layernorm(x + h, p['ln2_g'][l], p['ln2_b'][l])
    logits = x @ p['Wout'] + p['bout']
    return logits, x


def reference(inputs, params):
    return _forward(inputs, params)

if __name__ == "__main__":
    import jax
    _d = setup_inputs()
    print(jax.jit(kernel)(*tuple(_d.values())))

</pallas_src>

<mosaic_0001>
#map = affine_map<(d0, d1) -> (0, 0)>
#map1 = affine_map<(d0, d1) -> (0)>
module attributes {stable_mosaic.version = 14 : i64} {
  func.func @_sc_gather_body(%arg0: i32, %arg1: i32, %arg2: memref<16000x1024xf32, #tpu.memory_space<hbm>>, %arg3: memref<2048xi32, #tpu.memory_space<hbm>>, %arg4: memref<2048x1024xf32, #tpu.memory_space<hbm>>, %arg5: memref<64xi32, #tpu.memory_space<vmem>>, %arg6: memref<64x1024xf32, #tpu.memory_space<vmem>>, %arg7: memref<!tpu.dma_semaphore, #tpu.memory_space<semaphore_mem>>) attributes {dimension_semantics = [#tpu.dimension_semantics<core_parallel>, #tpu.dimension_semantics<subcore_parallel>], iteration_bounds = array<i64: 2, 16>, scalar_prefetch = 0 : i64, scratch_operands = 3 : i64, tpu.core_type = #tpu.core_type<sc_vector_subcore>, window_params = [{transform_indices = #map}, {transform_indices = #map1}, {transform_indices = #map}]} {
    %mul3A = arith.constant 2 : i32
    %mul3A_0 = arith.muli %arg1, %mul3A : i32
    %add3A = arith.addi %mul3A_0, %arg0 : i32
    %mul3A_1 = arith.constant 64 : i32
    %mul3A_2 = arith.muli %add3A, %mul3A_1 : i32
    "tpu.region"() ({
      %run_scoped3A = tpu.sem_alloc : memref<!tpu.dma_semaphore, #tpu.memory_space<semaphore_mem>>
      %dma_start3A_7 = tpu.memref_slice %arg3[%mul3A_2] : memref<2048xi32, #tpu.memory_space<hbm>> -> memref<64xi32, #tpu.memory_space<hbm>>
      %dma_start3A_8 = tpu.memref_slice %arg3[%mul3A_2] : memref<2048xi32, #tpu.memory_space<hbm>> -> memref<64xi32, #tpu.memory_space<hbm>>
      tpu.enqueue_dma source(%dma_start3A_8 : memref<64xi32, #tpu.memory_space<hbm>>) target(%arg5 : memref<64xi32, #tpu.memory_space<vmem>>) target_semaphore(%run_scoped3A : memref<!tpu.dma_semaphore, #tpu.memory_space<semaphore_mem>>)
      %dma_wait3A_9 = tpu.memref_slice %arg3[%mul3A_2] : memref<2048xi32, #tpu.memory_space<hbm>> -> memref<64xi32, #tpu.memory_space<hbm>>
      %dma_wait3A_10 = tpu.memref_slice %arg3[%mul3A_2] : memref<2048xi32, #tpu.memory_space<hbm>> -> memref<64xi32, #tpu.memory_space<hbm>>
      tpu.wait_dma2 semaphore(%run_scoped3A : memref<!tpu.dma_semaphore, #tpu.memory_space<semaphore_mem>>) src(%dma_wait3A_10 : memref<64xi32, #tpu.memory_space<hbm>>) dst(%arg5 : memref<64xi32, #tpu.memory_space<vmem>>)
      tpu.yield
    }) : () -> ()
    %dma_start3A = arith.constant 0 : i32
    %dma_start3A_3 = arith.constant 0 : i32
    %dma_start3A_4 = tpu.memref_slice %arg2[%dma_start3A, %dma_start3A_3] : memref<16000x1024xf32, #tpu.memory_space<hbm>> -> memref<16000x1024xf32, #tpu.memory_space<hbm>>
    tpu.enqueue_indirect_dma source(%dma_start3A_4 : memref<16000x1024xf32, #tpu.memory_space<hbm>>) target(%arg6 : memref<64x1024xf32, #tpu.memory_space<vmem>>) offsets(%arg5 : memref<64xi32, #tpu.memory_space<vmem>>) semaphore(%arg7 : memref<!tpu.dma_semaphore, #tpu.memory_space<semaphore_mem>>)
    %dma_wait3A = arith.constant 0 : i32
    %dma_wait3A_5 = arith.constant 0 : i32
    %dma_wait3A_6 = tpu.memref_slice %arg2[%dma_wait3A, %dma_wait3A_5] : memref<16000x1024xf32, #tpu.memory_space<hbm>> -> memref<16000x1024xf32, #tpu.memory_space<hbm>>
    tpu.wait_indirect_dma semaphore(%arg7 : memref<!tpu.dma_semaphore, #tpu.memory_space<semaphore_mem>>) src(%dma_wait3A_6 : memref<16000x1024xf32, #tpu.memory_space<hbm>>) dst(%arg6 : memref<64x1024xf32, #tpu.memory_space<vmem>>)
    "tpu.region"() ({
      %run_scoped3A = tpu.sem_alloc : memref<!tpu.dma_semaphore, #tpu.memory_space<semaphore_mem>>
      %dma_start3A_7 = arith.constant 0 : i32
      %dma_start3A_8 = tpu.memref_slice %arg4[%mul3A_2, %dma_start3A_7] : memref<2048x1024xf32, #tpu.memory_space<hbm>> -> memref<64x1024xf32, #tpu.memory_space<hbm>>
      %dma_start3A_9 = arith.constant 0 : i32
      %dma_start3A_10 = tpu.memref_slice %arg4[%mul3A_2, %dma_start3A_9] : memref<2048x1024xf32, #tpu.memory_space<hbm>> -> memref<64x1024xf32, #tpu.memory_space<hbm>>
      tpu.enqueue_dma source(%arg6 : memref<64x1024xf32, #tpu.memory_space<vmem>>) target(%dma_start3A_10 : memref<64x1024xf32, #tpu.memory_space<hbm>>) target_semaphore(%run_scoped3A : memref<!tpu.dma_semaphore, #tpu.memory_space<semaphore_mem>>)
      %dma_wait3A_11 = arith.constant 0 : i32
      %dma_wait3A_12 = tpu.memref_slice %arg4[%mul3A_2, %dma_wait3A_11] : memref<2048x1024xf32, #tpu.memory_space<hbm>> -> memref<64x1024xf32, #tpu.memory_space<hbm>>
      %dma_wait3A_13 = arith.constant 0 : i32
      %dma_wait3A_14 = tpu.memref_slice %arg4[%mul3A_2, %dma_wait3A_13] : memref<2048x1024xf32, #tpu.memory_space<hbm>> -> memref<64x1024xf32, #tpu.memory_space<hbm>>
      tpu.wait_dma2 semaphore(%run_scoped3A : memref<!tpu.dma_semaphore, #tpu.memory_space<semaphore_mem>>) src(%arg6 : memref<64x1024xf32, #tpu.memory_space<vmem>>) dst(%dma_wait3A_14 : memref<64x1024xf32, #tpu.memory_space<hbm>>)
      tpu.yield
    }) : () -> ()
    return
  }
}

module attributes {stable_mosaic.version = 14 : i64} {
  func.func @_qkv0_body(%arg0: i32, %arg1: memref<256x1024xf32, #tpu.memory_space<vmem>>, %arg2: memref<256x1024xf32, #tpu.memory_space<vmem>>, %arg3: memref<1024x1024xbf16, #tpu.memory_space<vmem>>, %arg4: memref<1024x1024xbf16, #tpu.memory_space<vmem>>, %arg5: memref<1024x1024xbf16, #tpu.memory_space<vmem>>, %arg6: memref<1x1024xf32, #tpu.memory_space<vmem>>, %arg7: memref<1x1024xf32, #tpu.memory_space<vmem>>, %arg8: memref<1x1024xf32, #tpu.memory_space<vmem>>, %arg9: memref<256x1024xf32, #tpu.memory_space<vmem>>, %arg10: memref<256x1024xbf16, #tpu.memory_space<vmem>>, %arg11: memref<256x1024xbf16, #tpu.memory_space<vmem>>, %arg12: memref<256x1024xbf16, #tpu.memory_space<vmem>>) attributes {dimension_semantics = [#tpu.dimension_semantics<arbitrary>], iteration_bounds = array<i64: 8>, scalar_prefetch = 0 : i64, scratch_operands = 0 : i64, tpu.core_type = #tpu.core_type<tc>, window_params = [{transform_indices = @transform_0, window_bounds = array<i64: 256, 1024>}, {transform_indices = @transform_1, window_bounds = array<i64: 256, 1024>}, {pipeline_mode = #tpu.pipeline_mode<synchronous>, transform_indices = @transform_2, window_bounds = array<i64: 1024, 1024>}, {pipeline_mode = #tpu.pipeline_mode<synchronous>, transform_indices = @transform_3, window_bounds = array<i64: 1024, 1024>}, {pipeline_mode = #tpu.pipeline_mode<synchronous>, transform_indices = @transform_4, window_bounds = array<i64: 1024, 1024>}, {pipeline_mode = #tpu.pipeline_mode<synchronous>, transform_indices = @transform_5, window_bounds = array<i64: 1, 1024>}, {pipeline_mode = #tpu.pipeline_mode<synchronous>, transform_indices = @transform_6, window_bounds = array<i64: 1, 1024>}, {pipeline_mode = #tpu.pipeline_mode<synchronous>, transform_indices = @transform_7, window_bounds = array<i64: 1, 1024>}, {transform_indices = @transform_8, window_bounds = array<i64: 256, 1024>}, {transform_indices = @transform_9, window_bounds = array<i64: 256, 1024>}, {transform_indices = @transform_10, window_bounds = array<i64: 256, 1024>}, {transform_indices = @transform_11, window_bounds = array<i64: 256, 1024>}]} {
    %get3A = arith.constant 0 : index
    %get3A_0 = arith.constant 0 : index
    %get3A_1 = vector.load %arg1[%get3A, %get3A_0] : memref<256x1024xf32, #tpu.memory_space<vmem>>, vector<256x1024xf32>
    %get3A_2 = arith.constant 0 : index
    %get3A_3 = arith.constant 0 : index
    %get3A_4 = vector.load %arg2[%get3A_2, %get3A_3] : memref<256x1024xf32, #tpu.memory_space<vmem>>, vector<256x1024xf32>
    %add3A = arith.addf %get3A_1, %get3A_4 : vector<256x1024xf32>
    %swap3A = arith.constant 0 : index
    %swap3A_5 = arith.constant 0 : index
    %swap3A_6 = vector.load %arg9[%swap3A, %swap3A_5] : memref<256x1024xf32, #tpu.memory_space<vmem>>, vector<256x1024xf32>
    tpu.vector_store %arg9[%swap3A, %swap3A_5], %add3A {strides = array<i32>} : memref<256x1024xf32, #tpu.memory_space<vmem>>, vector<256x1024xf32>,
    %convert_element_type3A = arith.truncf %add3A : vector<256x1024xf32> to vector<256x1024xbf16>
    %get3A_7 = arith.constant 0 : index
    %get3A_8 = arith.constant 0 : index
    %get3A_9 = vector.load %arg3[%get3A_7, %get3A_8] : memref<1024x1024xbf16, #tpu.memory_space<vmem>>, vector<1024x1024xbf16>
    %dot_general3A = arith.constant dense<0.000000e+00> : vector<256x1024xf32>
    %dot_general3A_10 = tpu.matmul %convert_element_type3A, %get3A_9, %dot_general3A {dimension_numbers = #tpu.dot_dimension_numbers<[1], [0], [0], [1], [0, 0, 1, 1], [], []>, transpose_lhs_hint = false} : vector<256x1024xbf16>, vector<1024x1024xbf16>, vector<256x1024xf32> -> vector<256x1024xf32>
    %get3A_11 = arith.constant 0 : index
    %get3A_12 = arith.constant 0 : index
    %get3A_13 = vector.load %arg6[%get3A_11, %get3A_12] : memref<1x1024xf32, #tpu.memory_space<vmem>>, vector<1x1024xf32>
    %add3A_14 = vector.broadcast %get3A_13 : vector<1x1024xf32> to vector<256x1024xf32>
    %add3A_15 = arith.addf %dot_general3A_10, %add3A_14 : vector<256x1024xf32>
    %get3A_16 = arith.constant 0 : index
    %get3A_17 = arith.constant 0 : index
    %get3A_18 = vector.load %arg4[%get3A_16, %get3A_17] : memref<1024x1024xbf16, #tpu.memory_space<vmem>>, vector<1024x1024xbf16>
    %dot_general3A_19 = arith.constant dense<0.000000e+00> : vector<256x1024xf32>
    %dot_general3A_20 = tpu.matmul %convert_element_type3A, %get3A_18, %dot_general3A_19 {dimension_numbers = #tpu.dot_dimension_numbers<[1], [0], [0], [1], [0, 0, 1, 1], [], []>, transpose_lhs_hint = false} : vector<256x1024xbf16>, vector<1024x1024xbf16>, vector<256x1024xf32> -> vector<256x1024xf32>
    %get3A_21 = arith.constant 0 : index
    %get3A_22 = arith.constant 0 : index
    %get3A_23 = vector.load %arg7[%get3A_21, %get3A_22] : memref<1x1024xf32, #tpu.memory_space<vmem>>, vector<1x1024xf32>
    %add3A_24 = vector.broadcast %get3A_23 : vector<1x1024xf32> to vector<256x1024xf32>
    %add3A_25 = arith.addf %dot_general3A_20, %add3A_24 : vector<256x1024xf32>
    %get3A_26 = arith.constant 0 : index
    %get3A_27 = arith.constant 0 : index
    %get3A_28 = vector.load %arg5[%get3A_26, %get3A_27] : memref<1024x1024xbf16, #tpu.memory_space<vmem>>, vector<1024x1024xbf16>
    %dot_general3A_29 = arith.constant dense<0.000000e+00> : vector<256x1024xf32>
    %dot_general3A_30 = tpu.matmul %convert_element_type3A, %get3A_28, %dot_general3A_29 {dimension_numbers = #tpu.dot_dimension_numbers<[1], [0], [0], [1], [0, 0, 1, 1], [], []>, transpose_lhs_hint = false} : vector<256x1024xbf16>, vector<1024x1024xbf16>, vector<256x1024xf32> -> vector<256x1024xf32>
    %get3A_31 = arith.constant 0 : index
    %get3A_32 = arith.constant 0 : index
    %get3A_33 = vector.load %arg8[%get3A_31, %get3A_32] : memref<1x1024xf32, #tpu.memory_space<vmem>>, vector<1x1024xf32>
    %add3A_34 = vector.broadcast %get3A_33 : vector<1x1024xf32> to vector<256x1024xf32>
    %add3A_35 = arith.addf %dot_general3A_30, %add3A_34 : vector<256x1024xf32>
    %convert_element_type3A_36 = arith.truncf %add3A_15 : vector<256x1024xf32> to vector<256x1024xbf16>
    %swap3A_37 = arith.constant 0 : index
    %swap3A_38 = arith.constant 0 : index
    %swap3A_39 = vector.load %arg10[%swap3A_37, %swap3A_38] : memref<256x1024xbf16, #tpu.memory_space<vmem>>, vector<256x1024xbf16>
    tpu.vector_store %arg10[%swap3A_37, %swap3A_38], %convert_element_type3A_36 {strides = array<i32>} : memref<256x1024xbf16, #tpu.memory_space<vmem>>, vector<256x1024xbf16>,
    %convert_element_type3A_40 = arith.truncf %add3A_25 : vector<256x1024xf32> to vector<256x1024xbf16>
    %swap3A_41 = arith.constant 0 : index
    %swap3A_42 = arith.constant 0 : index
    %swap3A_43 = vector.load %arg11[%swap3A_41, %swap3A_42] : memref<256x1024xbf16, #tpu.memory_space<vmem>>, vector<256x1024xbf16>
    tpu.vector_store %arg11[%swap3A_41, %swap3A_42], %convert_element_type3A_40 {strides = array<i32>} : memref<256x1024xbf16, #tpu.memory_space<vmem>>, vector<256x1024xbf16>,
    %convert_element_type3A_44 = arith.truncf %add3A_35 : vector<256x1024xf32> to vector<256x1024xbf16>
    %swap3A_45 = arith.constant 0 : index
    %swap3A_46 = arith.constant 0 : index
    %swap3A_47 = vector.load %arg12[%swap3A_45, %swap3A_46] : memref<256x1024xbf16, #tpu.memory_space<vmem>>, vector<256x1024xbf16>
    tpu.vector_store %arg12[%swap3A_45, %swap3A_46], %convert_element_type3A_44 {strides = array<i32>} : memref<256x1024xbf16, #tpu.memory_space<vmem>>, vector<256x1024xbf16>,
    return
  }
  func.func @transform_0(%arg0: i32) -> (i32, i32) {
    %c0_i32 = arith.constant 0 : i32
    %c0_i32_0 = arith.constant 0 : i32
    return %arg0, %c0_i32 : i32, i32
  }
  func.func @transform_1(%arg0: i32) -> (i32, i32) {
    %c0_i32 = arith.constant 0 : i32
    %c0_i32_0 = arith.constant 0 : i32
    return %arg0, %c0_i32 : i32, i32
  }
  func.func @transform_2(%arg0: i32) -> (i32, i32) {
    %c0_i32 = arith.constant 0 : i32
    %c0_i32_0 = arith.constant 0 : i32
    %c0_i32_1 = arith.constant 0 : i32
    return %c0_i32, %c0_i32_0 : i32, i32
  }
  func.func @transform_3(%arg0: i32) -> (i32, i32) {
    %c0_i32 = arith.constant 0 : i32
    %c0_i32_0 = arith.constant 0 : i32
    %c0_i32_1 = arith.constant 0 : i32
    return %c0_i32, %c0_i32_0 : i32, i32
  }
  func.func @transform_4(%arg0: i32) -> (i32, i32) {
    %c0_i32 = arith.constant 0 : i32
    %c0_i32_0 = arith.constant 0 : i32
    %c0_i32_1 = arith.constant 0 : i32
    return %c0_i32, %c0_i32_0 : i32, i32
  }
  func.func @transform_5(%arg0: i32) -> (i32, i32) {
    %c0_i32 = arith.constant 0 : i32
    %c0_i32_0 = arith.constant 0 : i32
    %c0_i32_1 = arith.constant 0 : i32
    return %c0_i32, %c0_i32_0 : i32, i32
  }
  func.func @transform_6(%arg0: i32) -> (i32, i32) {
    %c0_i32 = arith.constant 0 : i32
    %c0_i32_0 = arith.constant 0 : i32
    %c0_i32_1 = arith.constant 0 : i32
    return %c0_i32, %c0_i32_0 : i32, i32
  }
  func.func @transform_7(%arg0: i32) -> (i32, i32) {
    %c0_i32 = arith.constant 0 : i32
    %c0_i32_0 = arith.constant 0 : i32
    %c0_i32_1 = arith.constant 0 : i32
    return %c0_i32, %c0_i32_0 : i32, i32
  }
  func.func @transform_8(%arg0: i32) -> (i32, i32) {
    %c0_i32 = arith.constant 0 : i32
    %c0_i32_0 = arith.constant 0 : i32
    return %arg0, %c0_i32 : i32, i32
  }
  func.func @transform_9(%arg0: i32) -> (i32, i32) {
    %c0_i32 = arith.constant 0 : i32
    %c0_i32_0 = arith.constant 0 : i32
    return %arg0, %c0_i32 : i32, i32
  }
  func.func @transform_10(%arg0: i32) -> (i32, i32) {
    %c0_i32 = arith.constant 0 : i32
    %c0_i32_0 = arith.constant 0 : i32
    return %arg0, %c0_i32 : i32, i32
  }
  func.func @transform_11(%arg0: i32) -> (i32, i32) {
    %c0_i32 = arith.constant 0 : i32
    %c0_i32_0 = arith.constant 0 : i32
    return %arg0, %c0_i32 : i32, i32
  }
}

module attributes {stable_mosaic.version = 14 : i64} {
  func.func @_attn_body(%arg0: i32, %arg1: i32, %arg2: memref<1x512x64xbf16, #tpu.memory_space<vmem>>, %arg3: memref<1x2048x64xbf16, #tpu.memory_space<vmem>>, %arg4: memref<1x2048x64xbf16, #tpu.memory_space<vmem>>, %arg5: memref<1x512x64xbf16, #tpu.memory_space<vmem>>) attributes {dimension_semantics = [#tpu.dimension_semantics<arbitrary>, #tpu.dimension_semantics<arbitrary>], iteration_bounds = array<i64: 16, 4>, scalar_prefetch = 0 : i64, scratch_operands = 0 : i64, tpu.core_type = #tpu.core_type<tc>, window_params = [{transform_indices = @transform_0, window_bounds = array<i64: 1, 512, 64>}, {transform_indices = @transform_1, window_bounds = array<i64: 1, 2048, 64>}, {transform_indices = @transform_2, window_bounds = array<i64: 1, 2048, 64>}, {transform_indices = @transform_3, window_bounds = array<i64: 1, 512, 64>}]} {
    %get3A = arith.constant 0 : index
    %get3A_0 = arith.constant 0 : index
    %get3A_1 = arith.constant 0 : index
    %get3A_2 = vector.load %arg2[%get3A, %get3A_0, %get3A_1] : memref<1x512x64xbf16, #tpu.memory_space<vmem>>, vector<1x512x64xbf16>
    %get3A_3 = vector.shape_cast %get3A_2 : vector<1x512x64xbf16> to vector<512x64xbf16>
    %broadcast_in_dim3A = arith.constant 0.000000e+00 : f32
    %broadcast_in_dim3A_4 = vector.broadcast %broadcast_in_dim3A : f32 to vector<512x64xf32>
    %broadcast_in_dim3A_5 = arith.constant 0.000000e+00 : f32
    %broadcast_in_dim3A_6 = vector.broadcast %broadcast_in_dim3A_5 : f32 to vector<512x1xf32>
    %while3A = arith.constant 0 : i32
    %while3A_7 = arith.subi %arg1, %while3A : i32
    %while3A_8 = arith.addi %while3A, %while3A_7 : i32
    %while3A_9 = arith.constant 1 : i32
    %while3A_10 = arith.divsi %while3A_7, %while3A_9 : i32
    %while3A_11 = arith.muli %while3A_10, %while3A_9 : i32
    %while3A_12 = arith.addi %while3A, %while3A_11 : i32
    %while3A_13 = arith.constant 1 : i32
    %while3A_14:2 = scf.for %while3A_46 = %while3A to %while3A_12 step %while3A_13 iter_args(%while3A_47 = %broadcast_in_dim3A_4, %while3A_48 = %broadcast_in_dim3A_6) -> (vector<512x64xf32>, vector<512x1xf32>)  : i32 {
      %mul3A_49 = arith.constant 512 : i32
      %mul3A_50 = arith.muli %while3A_46, %mul3A_49 : i32
      %multiple_of3A_51 = tpu.assume_multiple %mul3A_50, 512 : i32
      %get3A_52 = arith.constant 0 : index
      %get3A_53 = arith.index_cast %multiple_of3A_51 : i32 to index
      %get3A_54 = arith.constant 0 : index
      %get3A_55 = vector.load %arg3[%get3A_52, %get3A_53, %get3A_54] : memref<1x2048x64xbf16, #tpu.memory_space<vmem>>, vector<1x512x64xbf16>
      %get3A_56 = vector.shape_cast %get3A_55 : vector<1x512x64xbf16> to vector<512x64xbf16>
      %get3A_57 = arith.constant 0 : index
      %get3A_58 = arith.index_cast %multiple_of3A_51 : i32 to index
      %get3A_59 = arith.constant 0 : index
      %get3A_60 = vector.load %arg4[%get3A_57, %get3A_58, %get3A_59] : memref<1x2048x64xbf16, #tpu.memory_space<vmem>>, vector<1x512x64xbf16>
      %get3A_61 = vector.shape_cast %get3A_60 : vector<1x512x64xbf16> to vector<512x64xbf16>
      %dot_general3A_62 = arith.constant dense<0.000000e+00> : vector<512x512xf32>
      %dot_general3A_63 = tpu.matmul %get3A_3, %get3A_56, %dot_general3A_62 {dimension_numbers = #tpu.dot_dimension_numbers<[1], [1], [0], [0], [0, 0, 1, 0], [], []>, transpose_lhs_hint = false} : vector<512x64xbf16>, vector<512x64xbf16>, vector<512x512xf32> -> vector<512x512xf32>
      %mul3A_64 = arith.constant 1.250000e-01 : f32
      %mul3A_65 = vector.broadcast %mul3A_64 : f32 to vector<512x512xf32>
      %mul3A_66 = arith.mulf %dot_general3A_63, %mul3A_65 : vector<512x512xf32>
      %exp3A_67 = math.exp %mul3A_66 : vector<512x512xf32>
      %reduce_sum3A_68 = arith.constant dense<0.000000e+00> : vector<512xf32>
      %reduce_sum3A_69 = vector.multi_reduction <add>, %exp3A_67, %reduce_sum3A_68 [1] : vector<512x512xf32> to vector<512xf32>
      %broadcast_in_dim3A_70 = vector.shape_cast %reduce_sum3A_69 : vector<512xf32> to vector<512x1xf32>
      %add3A_71 = arith.addf %while3A_48, %broadcast_in_dim3A_70 : vector<512x1xf32>
      %convert_element_type3A_72 = arith.truncf %exp3A_67 : vector<512x512xf32> to vector<512x512xbf16>
      %dot_general3A_73 = arith.constant dense<0.000000e+00> : vector<512x64xf32>
      %dot_general3A_74 = tpu.matmul %convert_element_type3A_72, %get3A_61, %dot_general3A_73 {dimension_numbers = #tpu.dot_dimension_numbers<[1], [0], [0], [1], [0, 0, 1, 1], [], []>, transpose_lhs_hint = false} : vector<512x512xbf16>, vector<512x64xbf16>, vector<512x64xf32> -> vector<512x64xf32>
      %add3A_75 = arith.addf %while3A_47, %dot_general3A_74 : vector<512x64xf32>
      scf.yield %add3A_75, %add3A_71 : vector<512x64xf32>, vector<512x1xf32>
    }
    %while3A_15 = arith.constant 1 : i32
    %while3A_16:2 = scf.for %while3A_46 = %while3A_12 to %while3A_8 step %while3A_15 iter_args(%while3A_47 = %while3A_14#0, %while3A_48 = %while3A_14#1) -> (vector<512x64xf32>, vector<512x1xf32>)  : i32 {
      %mul3A_49 = arith.constant 512 : i32
      %mul3A_50 = arith.muli %while3A_46, %mul3A_49 : i32
      %multiple_of3A_51 = tpu.assume_multiple %mul3A_50, 512 : i32
      %get3A_52 = arith.constant 0 : index
      %get3A_53 = arith.index_cast %multiple_of3A_51 : i32 to index
      %get3A_54 = arith.constant 0 : index
      %get3A_55 = vector.load %arg3[%get3A_52, %get3A_53, %get3A_54] : memref<1x2048x64xbf16, #tpu.memory_space<vmem>>, vector<1x512x64xbf16>
      %get3A_56 = vector.shape_cast %get3A_55 : vector<1x512x64xbf16> to vector<512x64xbf16>
      %get3A_57 = arith.constant 0 : index
      %get3A_58 = arith.index_cast %multiple_of3A_51 : i32 to index
      %get3A_59 = arith.constant 0 : index
      %get3A_60 = vector.load %arg4[%get3A_57, %get3A_58, %get3A_59] : memref<1x2048x64xbf16, #tpu.memory_space<vmem>>, vector<1x512x64xbf16>
      %get3A_61 = vector.shape_cast %get3A_60 : vector<1x512x64xbf16> to vector<512x64xbf16>
      %dot_general3A_62 = arith.constant dense<0.000000e+00> : vector<512x512xf32>
      %dot_general3A_63 = tpu.matmul %get3A_3, %get3A_56, %dot_general3A_62 {dimension_numbers = #tpu.dot_dimension_numbers<[1], [1], [0], [0], [0, 0, 1, 0], [], []>, transpose_lhs_hint = false} : vector<512x64xbf16>, vector<512x64xbf16>, vector<512x512xf32> -> vector<512x512xf32>
      %mul3A_64 = arith.constant 1.250000e-01 : f32
      %mul3A_65 = vector.broadcast %mul3A_64 : f32 to vector<512x512xf32>
      %mul3A_66 = arith.mulf %dot_general3A_63, %mul3A_65 : vector<512x512xf32>
      %exp3A_67 = math.exp %mul3A_66 : vector<512x512xf32>
      %reduce_sum3A_68 = arith.constant dense<0.000000e+00> : vector<512xf32>
      %reduce_sum3A_69 = vector.multi_reduction <add>, %exp3A_67, %reduce_sum3A_68 [1] : vector<512x512xf32> to vector<512xf32>
      %broadcast_in_dim3A_70 = vector.shape_cast %reduce_sum3A_69 : vector<512xf32> to vector<512x1xf32>
      %add3A_71 = arith.addf %while3A_48, %broadcast_in_dim3A_70 : vector<512x1xf32>
      %convert_element_type3A_72 = arith.truncf %exp3A_67 : vector<512x512xf32> to vector<512x512xbf16>
      %dot_general3A_73 = arith.constant dense<0.000000e+00> : vector<512x64xf32>
      %dot_general3A_74 = tpu.matmul %convert_element_type3A_72, %get3A_61, %dot_general3A_73 {dimension_numbers = #tpu.dot_dimension_numbers<[1], [0], [0], [1], [0, 0, 1, 1], [], []>, transpose_lhs_hint = false} : vector<512x512xbf16>, vector<512x64xbf16>, vector<512x64xf32> -> vector<512x64xf32>
      %add3A_75 = arith.addf %while3A_47, %dot_general3A_74 : vector<512x64xf32>
      scf.yield %add3A_75, %add3A_71 : vector<512x64xf32>, vector<512x1xf32>
    }
    %mul3A = arith.constant 512 : i32
    %mul3A_17 = arith.muli %arg1, %mul3A : i32
    %multiple_of3A = tpu.assume_multiple %mul3A_17, 512 : i32
    %get3A_18 = arith.constant 0 : index
    %get3A_19 = arith.index_cast %multiple_of3A : i32 to index
    %get3A_20 = arith.constant 0 : index
    %get3A_21 = vector.load %arg3[%get3A_18, %get3A_19, %get3A_20] : memref<1x2048x64xbf16, #tpu.memory_space<vmem>>, vector<1x512x64xbf16>
    %get3A_22 = vector.shape_cast %get3A_21 : vector<1x512x64xbf16> to vector<512x64xbf16>
    %get3A_23 = arith.constant 0 : index
    %get3A_24 = arith.index_cast %multiple_of3A : i32 to index
    %get3A_25 = arith.constant 0 : index
    %get3A_26 = vector.load %arg4[%get3A_23, %get3A_24, %get3A_25] : memref<1x2048x64xbf16, #tpu.memory_space<vmem>>, vector<1x512x64xbf16>
    %get3A_27 = vector.shape_cast %get3A_26 : vector<1x512x64xbf16> to vector<512x64xbf16>
    %dot_general3A = arith.constant dense<0.000000e+00> : vector<512x512xf32>
    %dot_general3A_28 = tpu.matmul %get3A_3, %get3A_22, %dot_general3A {dimension_numbers = #tpu.dot_dimension_numbers<[1], [1], [0], [0], [0, 0, 1, 0], [], []>, transpose_lhs_hint = false} : vector<512x64xbf16>, vector<512x64xbf16>, vector<512x512xf32> -> vector<512x512xf32>
    %mul3A_29 = arith.constant 1.250000e-01 : f32
    %mul3A_30 = vector.broadcast %mul3A_29 : f32 to vector<512x512xf32>
    %mul3A_31 = arith.mulf %dot_general3A_28, %mul3A_30 : vector<512x512xf32>
    %iota3A = tpu.iota {dimensions = array<i32: 0>} : vector<512x512xi32>
    %iota3A_32 = tpu.iota {dimensions = array<i32: 1>} : vector<512x512xi32>
    %le3A = arith.cmpi sle, %iota3A_32, %iota3A : vector<512x512xi32>
    %exp3A = math.exp %mul3A_31 : vector<512x512xf32>
    %jit3A = arith.constant 0.000000e+00 : f32
    %broadcast_in_dim3A_33 = vector.broadcast %jit3A : f32 to vector<512x512xf32>
    %select_n3A = arith.select %le3A, %exp3A, %broadcast_in_dim3A_33 : vector<512x512xi1>, vector<512x512xf32>
    %reduce_sum3A = arith.constant dense<0.000000e+00> : vector<512xf32>
    %reduce_sum3A_34 = vector.multi_reduction <add>, %select_n3A, %reduce_sum3A [1] : vector<512x512xf32> to vector<512xf32>
    %broadcast_in_dim3A_35 = vector.shape_cast %reduce_sum3A_34 : vector<512xf32> to vector<512x1xf32>
    %add3A = arith.addf %while3A_16#1, %broadcast_in_dim3A_35 : vector<512x1xf32>
    %convert_element_type3A = arith.truncf %select_n3A : vector<512x512xf32> to vector<512x512xbf16>
    %dot_general3A_36 = arith.constant dense<0.000000e+00> : vector<512x64xf32>
    %dot_general3A_37 = tpu.matmul %convert_element_type3A, %get3A_27, %dot_general3A_36 {dimension_numbers = #tpu.dot_dimension_numbers<[1], [0], [0], [1], [0, 0, 1, 1], [], []>, transpose_lhs_hint = false} : vector<512x512xbf16>, vector<512x64xbf16>, vector<512x64xf32> -> vector<512x64xf32>
    %add3A_38 = arith.addf %while3A_16#0, %dot_general3A_37 : vector<512x64xf32>
    %div3A = vector.broadcast %add3A : vector<512x1xf32> to vector<512x64xf32>
    %div3A_39 = arith.divf %add3A_38, %div3A : vector<512x64xf32>
    %convert_element_type3A_40 = arith.truncf %div3A_39 : vector<512x64xf32> to vector<512x64xbf16>
    %swap3A = arith.constant 0 : index
    %swap3A_41 = arith.constant 0 : index
    %swap3A_42 = arith.constant 0 : index
    %swap3A_43 = vector.load %arg5[%swap3A, %swap3A_41, %swap3A_42] : memref<1x512x64xbf16, #tpu.memory_space<vmem>>, vector<1x512x64xbf16>
    %swap3A_44 = vector.shape_cast %swap3A_43 : vector<1x512x64xbf16> to vector<512x64xbf16>
    %swap3A_45 = vector.shape_cast %convert_element_type3A_40 : vector<512x64xbf16> to vector<1x512x64xbf16>
    tpu.vector_store %arg5[%swap3A, %swap3A_41, %swap3A_42], %swap3A_45 {strides = array<i32>} : memref<1x512x64xbf16, #tpu.memory_space<vmem>>, vector<1x512x64xbf16>,
    return
  }
  func.func @transform_0(%arg0: i32, %arg1: i32) -> (i32, i32, i32) {
    %c0_i32 = arith.constant 0 : i32
    %c0_i32_0 = arith.constant 0 : i32
    return %arg0, %arg1, %c0_i32 : i32, i32, i32
  }
  func.func @transform_1(%arg0: i32, %arg1: i32) -> (i32, i32, i32) {
    %c0_i32 = arith.constant 0 : i32
    %c0_i32_0 = arith.constant 0 : i32
    %c0_i32_1 = arith.constant 0 : i32
    return %arg0, %c0_i32, %c0_i32_0 : i32, i32, i32
  }
  func.func @transform_2(%arg0: i32, %arg1: i32) -> (i32, i32, i32) {
    %c0_i32 = arith.constant 0 : i32
    %c0_i32_0 = arith.constant 0 : i32
    %c0_i32_1 = arith.constant 0 : i32
    return %arg0, %c0_i32, %c0_i32_0 : i32, i32, i32
  }
  func.func @transform_3(%arg0: i32, %arg1: i32) -> (i32, i32, i32) {
    %c0_i32 = arith.constant 0 : i32
    %c0_i32_0 = arith.constant 0 : i32
    return %arg0, %arg1, %c0_i32 : i32, i32, i32
  }
}

module attributes {stable_mosaic.version = 14 : i64} {
  func.func @_block_body(%arg0: i32, %arg1: memref<256x1024xbf16, #tpu.memory_space<vmem>>, %arg2: memref<1024x1024xbf16, #tpu.memory_space<vmem>>, %arg3: memref<1x1024xf32, #tpu.memory_space<vmem>>, %arg4: memref<256x1024xf32, #tpu.memory_space<vmem>>, %arg5: memref<1x1024xf32, #tpu.memory_space<vmem>>, %arg6: memref<1x1024xf32, #tpu.memory_space<vmem>>, %arg7: memref<1024x4096xbf16, #tpu.memory_space<vmem>>, %arg8: memref<1x4096xf32, #tpu.memory_space<vmem>>, %arg9: memref<4096x1024xbf16, #tpu.memory_space<vmem>>, %arg10: memref<1x1024xf32, #tpu.memory_space<vmem>>, %arg11: memref<1x1024xf32, #tpu.memory_space<vmem>>, %arg12: memref<1x1024xf32, #tpu.memory_space<vmem>>, %arg13: memref<256x1024xf32, #tpu.memory_space<vmem>>) attributes {dimension_semantics = [#tpu.dimension_semantics<arbitrary>], iteration_bounds = array<i64: 8>, scalar_prefetch = 0 : i64, scratch_operands = 0 : i64, tpu.core_type = #tpu.core_type<tc>, window_params = [{transform_indices = @transform_0, window_bounds = array<i64: 256, 1024>}, {pipeline_mode = #tpu.pipeline_mode<synchronous>, transform_indices = @transform_1, window_bounds = array<i64: 1024, 1024>}, {pipeline_mode = #tpu.pipeline_mode<synchronous>, transform_indices = @transform_2, window_bounds = array<i64: 1, 1024>}, {transform_indices = @transform_3, window_bounds = array<i64: 256, 1024>}, {pipeline_mode = #tpu.pipeline_mode<synchronous>, transform_indices = @transform_4, window_bounds = array<i64: 1, 1024>}, {pipeline_mode = #tpu.pipeline_mode<synchronous>, transform_indices = @transform_5, window_bounds = array<i64: 1, 1024>}, {pipeline_mode = #tpu.pipeline_mode<synchronous>, transform_indices = @transform_6, window_bounds = array<i64: 1024, 4096>}, {pipeline_mode = #tpu.pipeline_mode<synchronous>, transform_indices = @transform_7, window_bounds = array<i64: 1, 4096>}, {pipeline_mode = #tpu.pipeline_mode<synchronous>, transform_indices = @transform_8, window_bounds = array<i64: 4096, 1024>}, {pipeline_mode = #tpu.pipeline_mode<synchronous>, transform_indices = @transform_9, window_bounds = array<i64: 1, 1024>}, {pipeline_mode = #tpu.pipeline_mode<synchronous>, transform_indices = @transform_10, window_bounds = array<i64: 1, 1024>}, {pipeline_mode = #tpu.pipeline_mode<synchronous>, transform_indices = @transform_11, window_bounds = array<i64: 1, 1024>}, {transform_indices = @transform_12, window_bounds = array<i64: 256, 1024>}]} {
    %get3A = arith.constant 0 : index
    %get3A_0 = arith.constant 0 : index
    %get3A_1 = vector.load %arg1[%get3A, %get3A_0] : memref<256x1024xbf16, #tpu.memory_space<vmem>>, vector<256x1024xbf16>
    %get3A_2 = arith.constant 0 : index
    %get3A_3 = arith.constant 0 : index
    %get3A_4 = vector.load %arg2[%get3A_2, %get3A_3] : memref<1024x1024xbf16, #tpu.memory_space<vmem>>, vector<1024x1024xbf16>
    %dot_general3A = arith.constant dense<0.000000e+00> : vector<256x1024xf32>
    %dot_general3A_5 = tpu.matmul %get3A_1, %get3A_4, %dot_general3A {dimension_numbers = #tpu.dot_dimension_numbers<[1], [0], [0], [1], [0, 0, 1, 1], [], []>, transpose_lhs_hint = false} : vector<256x1024xbf16>, vector<1024x1024xbf16>, vector<256x1024xf32> -> vector<256x1024xf32>
    %get3A_6 = arith.constant 0 : index
    %get3A_7 = arith.constant 0 : index
    %get3A_8 = vector.load %arg3[%get3A_6, %get3A_7] : memref<1x1024xf32, #tpu.memory_space<vmem>>, vector<1x1024xf32>
    %add3A = vector.broadcast %get3A_8 : vector<1x1024xf32> to vector<256x1024xf32>
    %add3A_9 = arith.addf %dot_general3A_5, %add3A : vector<256x1024xf32>
    %get3A_10 = arith.constant 0 : index
    %get3A_11 = arith.constant 0 : index
    %get3A_12 = vector.load %arg4[%get3A_10, %get3A_11] : memref<256x1024xf32, #tpu.memory_space<vmem>>, vector<256x1024xf32>
    %add3A_13 = arith.addf %add3A_9, %get3A_12 : vector<256x1024xf32>
    %get3A_14 = arith.constant 0 : index
    %get3A_15 = arith.constant 0 : index
    %get3A_16 = vector.load %arg5[%get3A_14, %get3A_15] : memref<1x1024xf32, #tpu.memory_space<vmem>>, vector<1x1024xf32>
    %get3A_17 = arith.constant 0 : index
    %get3A_18 = arith.constant 0 : index
    %get3A_19 = vector.load %arg6[%get3A_17, %get3A_18] : memref<1x1024xf32, #tpu.memory_space<vmem>>, vector<1x1024xf32>
    %reduce_sum3A = arith.constant dense<0.000000e+00> : vector<256xf32>
    %reduce_sum3A_20 = vector.multi_reduction <add>, %add3A_13, %reduce_sum3A [1] : vector<256x1024xf32> to vector<256xf32>
    %broadcast_in_dim3A = vector.shape_cast %reduce_sum3A_20 : vector<256xf32> to vector<256x1xf32>
    %div3A = arith.constant 1.024000e+03 : f32
    %div3A_21 = vector.broadcast %div3A : f32 to vector<256x1xf32>
    %div3A_22 = arith.divf %broadcast_in_dim3A, %div3A_21 : vector<256x1xf32>
    %sub3A = vector.broadcast %div3A_22 : vector<256x1xf32> to vector<256x1024xf32>
    %sub3A_23 = arith.subf %add3A_13, %sub3A : vector<256x1024xf32>
    %square3A = arith.mulf %sub3A_23, %sub3A_23 : vector<256x1024xf32>
    %reduce_sum3A_24 = arith.constant dense<0.000000e+00> : vector<256xf32>
    %reduce_sum3A_25 = vector.multi_reduction <add>, %square3A, %reduce_sum3A_24 [1] : vector<256x1024xf32> to vector<256xf32>
    %broadcast_in_dim3A_26 = vector.shape_cast %reduce_sum3A_25 : vector<256xf32> to vector<256x1xf32>
    %div3A_27 = arith.constant 1.024000e+03 : f32
    %div3A_28 = vector.broadcast %div3A_27 : f32 to vector<256x1xf32>
    %div3A_29 = arith.divf %broadcast_in_dim3A_26, %div3A_28 : vector<256x1xf32>
    %sub3A_30 = vector.broadcast %div3A_22 : vector<256x1xf32> to vector<256x1024xf32>
    %sub3A_31 = arith.subf %add3A_13, %sub3A_30 : vector<256x1024xf32>
    %add3A_32 = arith.constant 1.000000e-03 : f32
    %add3A_33 = vector.broadcast %add3A_32 : f32 to vector<256x1xf32>
    %add3A_34 = arith.addf %div3A_29, %add3A_33 : vector<256x1xf32>
    %sqrt3A = math.sqrt %add3A_34 : vector<256x1xf32>
    %div3A_35 = vector.broadcast %sqrt3A : vector<256x1xf32> to vector<256x1024xf32>
    %div3A_36 = arith.divf %sub3A_31, %div3A_35 : vector<256x1024xf32>
    %mul3A = vector.broadcast %get3A_16 : vector<1x1024xf32> to vector<256x1024xf32>
    %mul3A_37 = arith.mulf %div3A_36, %mul3A : vector<256x1024xf32>
    %add3A_38 = vector.broadcast %get3A_19 : vector<1x1024xf32> to vector<256x1024xf32>
    %add3A_39 = arith.addf %mul3A_37, %add3A_38 : vector<256x1024xf32>
    %convert_element_type3A = arith.truncf %add3A_39 : vector<256x1024xf32> to vector<256x1024xbf16>
    %get3A_40 = arith.constant 0 : index
    %get3A_41 = arith.constant 0 : index
    %get3A_42 = vector.load %arg7[%get3A_40, %get3A_41] : memref<1024x4096xbf16, #tpu.memory_space<vmem>>, vector<1024x4096xbf16>
    %dot_general3A_43 = arith.constant dense<0.000000e+00> : vector<256x4096xf32>
    %dot_general3A_44 = tpu.matmul %convert_element_type3A, %get3A_42, %dot_general3A_43 {dimension_numbers = #tpu.dot_dimension_numbers<[1], [0], [0], [1], [0, 0, 1, 1], [], []>, transpose_lhs_hint = false} : vector<256x1024xbf16>, vector<1024x4096xbf16>, vector<256x4096xf32> -> vector<256x4096xf32>
    %get3A_45 = arith.constant 0 : index
    %get3A_46 = arith.constant 0 : index
    %get3A_47 = vector.load %arg8[%get3A_45, %get3A_46] : memref<1x4096xf32, #tpu.memory_space<vmem>>, vector<1x4096xf32>
    %add3A_48 = vector.broadcast %get3A_47 : vector<1x4096xf32> to vector<256x4096xf32>
    %add3A_49 = arith.addf %dot_general3A_44, %add3A_48 : vector<256x4096xf32>
    %max3A = arith.constant 0.000000e+00 : f32
    %max3A_50 = vector.broadcast %max3A : f32 to vector<256x4096xf32>
    %max3A_51 = arith.maximumf %add3A_49, %max3A_50 : vector<256x4096xf32>
    %convert_element_type3A_52 = arith.truncf %max3A_51 : vector<256x4096xf32> to vector<256x4096xbf16>
    %get3A_53 = arith.constant 0 : index
    %get3A_54 = arith.constant 0 : index
    %get3A_55 = vector.load %arg9[%get3A_53, %get3A_54] : memref<4096x1024xbf16, #tpu.memory_space<vmem>>, vector<4096x1024xbf16>
    %dot_general3A_56 = arith.constant dense<0.000000e+00> : vector<256x1024xf32>
    %dot_general3A_57 = tpu.matmul %convert_element_type3A_52, %get3A_55, %dot_general3A_56 {dimension_numbers = #tpu.dot_dimension_numbers<[1], [0], [0], [1], [0, 0, 1, 1], [], []>, transpose_lhs_hint = false} : vector<256x4096xbf16>, vector<4096x1024xbf16>, vector<256x1024xf32> -> vector<256x1024xf32>
    %get3A_58 = arith.constant 0 : index
    %get3A_59 = arith.constant 0 : index
    %get3A_60 = vector.load %arg10[%get3A_58, %get3A_59] : memref<1x1024xf32, #tpu.memory_space<vmem>>, vector<1x1024xf32>
    %add3A_61 = vector.broadcast %get3A_60 : vector<1x1024xf32> to vector<256x1024xf32>
    %add3A_62 = arith.addf %dot_general3A_57, %add3A_61 : vector<256x1024xf32>
    %add3A_63 = arith.addf %add3A_62, %add3A_39 : vector<256x1024xf32>
    %get3A_64 = arith.constant 0 : index
    %get3A_65 = arith.constant 0 : index
    %get3A_66 = vector.load %arg11[%get3A_64, %get3A_65] : memref<1x1024xf32, #tpu.memory_space<vmem>>, vector<1x1024xf32>
    %get3A_67 = arith.constant 0 : index
    %get3A_68 = arith.constant 0 : index
    %get3A_69 = vector.load %arg12[%get3A_67, %get3A_68] : memref<1x1024xf32, #tpu.memory_space<vmem>>, vector<1x1024xf32>
    %reduce_sum3A_70 = arith.constant dense<0.000000e+00> : vector<256xf32>
    %reduce_sum3A_71 = vector.multi_reduction <add>, %add3A_63, %reduce_sum3A_70 [1] : vector<256x1024xf32> to vector<256xf32>
    %broadcast_in_dim3A_72 = vector.shape_cast %reduce_sum3A_71 : vector<256xf32> to vector<256x1xf32>
    %div3A_73 = arith.constant 1.024000e+03 : f32
    %div3A_74 = vector.broadcast %div3A_73 : f32 to vector<256x1xf32>
    %div3A_75 = arith.divf %broadcast_in_dim3A_72, %div3A_74 : vector<256x1xf32>
    %sub3A_76 = vector.broadcast %div3A_75 : vector<256x1xf32> to vector<256x1024xf32>
    %sub3A_77 = arith.subf %add3A_63, %sub3A_76 : vector<256x1024xf32>
    %square3A_78 = arith.mulf %sub3A_77, %sub3A_77 : vector<256x1024xf32>
    %reduce_sum3A_79 = arith.constant dense<0.000000e+00> : vector<256xf32>
    %reduce_sum3A_80 = vector.multi_reduction <add>, %square3A_78, %reduce_sum3A_79 [1] : vector<256x1024xf32> to vector<256xf32>
    %broadcast_in_dim3A_81 = vector.shape_cast %reduce_sum3A_80 : vector<256xf32> to vector<256x1xf32>
    %div3A_82 = arith.constant 1.024000e+03 : f32
    %div3A_83 = vector.broadcast %div3A_82 : f32 to vector<256x1xf32>
    %div3A_84 = arith.divf %broadcast_in_dim3A_81, %div3A_83 : vector<256x1xf32>
    %sub3A_85 = vector.broadcast %div3A_75 : vector<256x1xf32> to vector<256x1024xf32>
    %sub3A_86 = arith.subf %add3A_63, %sub3A_85 : vector<256x1024xf32>
    %add3A_87 = arith.constant 1.000000e-03 : f32
    %add3A_88 = vector.broadcast %add3A_87 : f32 to vector<256x1xf32>
    %add3A_89 = arith.addf %div3A_84, %add3A_88 : vector<256x1xf32>
    %sqrt3A_90 = math.sqrt %add3A_89 : vector<256x1xf32>
    %div3A_91 = vector.broadcast %sqrt3A_90 : vector<256x1xf32> to vector<256x1024xf32>
    %div3A_92 = arith.divf %sub3A_86, %div3A_91 : vector<256x1024xf32>
    %mul3A_93 = vector.broadcast %get3A_66 : vector<1x1024xf32> to vector<256x1024xf32>
    %mul3A_94 = arith.mulf %div3A_92, %mul3A_93 : vector<256x1024xf32>
    %add3A_95 = vector.broadcast %get3A_69 : vector<1x1024xf32> to vector<256x1024xf32>
    %add3A_96 = arith.addf %mul3A_94, %add3A_95 : vector<256x1024xf32>
    %swap3A = arith.constant 0 : index
    %swap3A_97 = arith.constant 0 : index
    %swap3A_98 = vector.load %arg13[%swap3A, %swap3A_97] : memref<256x1024xf32, #tpu.memory_space<vmem>>, vector<256x1024xf32>
    tpu.vector_store %arg13[%swap3A, %swap3A_97], %add3A_96 {strides = array<i32>} : memref<256x1024xf32, #tpu.memory_space<vmem>>, vector<256x1024xf32>,
    return
  }
  func.func @transform_0(%arg0: i32) -> (i32, i32) {
    %c0_i32 = arith.constant 0 : i32
    %c0_i32_0 = arith.constant 0 : i32
    return %arg0, %c0_i32 : i32, i32
  }
  func.func @transform_1(%arg0: i32) -> (i32, i32) {
    %c0_i32 = arith.constant 0 : i32
    %c0_i32_0 = arith.constant 0 : i32
    %c0_i32_1 = arith.constant 0 : i32
    return %c0_i32, %c0_i32_0 : i32, i32
  }
  func.func @transform_2(%arg0: i32) -> (i32, i32) {
    %c0_i32 = arith.constant 0 : i32
    %c0_i32_0 = arith.constant 0 : i32
    %c0_i32_1 = arith.constant 0 : i32
    return %c0_i32, %c0_i32_0 : i32, i32
  }
  func.func @transform_3(%arg0: i32) -> (i32, i32) {
    %c0_i32 = arith.constant 0 : i32
    %c0_i32_0 = arith.constant 0 : i32
    return %arg0, %c0_i32 : i32, i32
  }
  func.func @transform_4(%arg0: i32) -> (i32, i32) {
    %c0_i32 = arith.constant 0 : i32
    %c0_i32_0 = arith.constant 0 : i32
    %c0_i32_1 = arith.constant 0 : i32
    return %c0_i32, %c0_i32_0 : i32, i32
  }
  func.func @transform_5(%arg0: i32) -> (i32, i32) {
    %c0_i32 = arith.constant 0 : i32
    %c0_i32_0 = arith.constant 0 : i32
    %c0_i32_1 = arith.constant 0 : i32
    return %c0_i32, %c0_i32_0 : i32, i32
  }
  func.func @transform_6(%arg0: i32) -> (i32, i32) {
    %c0_i32 = arith.constant 0 : i32
    %c0_i32_0 = arith.constant 0 : i32
    %c0_i32_1 = arith.constant 0 : i32
    return %c0_i32, %c0_i32_0 : i32, i32
  }
  func.func @transform_7(%arg0: i32) -> (i32, i32) {
    %c0_i32 = arith.constant 0 : i32
    %c0_i32_0 = arith.constant 0 : i32
    %c0_i32_1 = arith.constant 0 : i32
    return %c0_i32, %c0_i32_0 : i32, i32
  }
  func.func @transform_8(%arg0: i32) -> (i32, i32) {
    %c0_i32 = arith.constant 0 : i32
    %c0_i32_0 = arith.constant 0 : i32
    %c0_i32_1 = arith.constant 0 : i32
    return %c0_i32, %c0_i32_0 : i32, i32
  }
  func.func @transform_9(%arg0: i32) -> (i32, i32) {
    %c0_i32 = arith.constant 0 : i32
    %c0_i32_0 = arith.constant 0 : i32
    %c0_i32_1 = arith.constant 0 : i32
    return %c0_i32, %c0_i32_0 : i32, i32
  }
  func.func @transform_10(%arg0: i32) -> (i32, i32) {
    %c0_i32 = arith.constant 0 : i32
    %c0_i32_0 = arith.constant 0 : i32
    %c0_i32_1 = arith.constant 0 : i32
    return %c0_i32, %c0_i32_0 : i32, i32
  }
  func.func @transform_11(%arg0: i32) -> (i32, i32) {
    %c0_i32 = arith.constant 0 : i32
    %c0_i32_0 = arith.constant 0 : i32
    %c0_i32_1 = arith.constant 0 : i32
    return %c0_i32, %c0_i32_0 : i32, i32
  }
  func.func @transform_12(%arg0: i32) -> (i32, i32) {
    %c0_i32 = arith.constant 0 : i32
    %c0_i32_0 = arith.constant 0 : i32
    return %arg0, %c0_i32 : i32, i32
  }
}

module attributes {stable_mosaic.version = 14 : i64} {
  func.func @_qkv_body(%arg0: i32, %arg1: memref<256x1024xf32, #tpu.memory_space<vmem>>, %arg2: memref<1024x1024xbf16, #tpu.memory_space<vmem>>, %arg3: memref<1024x1024xbf16, #tpu.memory_space<vmem>>, %arg4: memref<1024x1024xbf16, #tpu.memory_space<vmem>>, %arg5: memref<1x1024xf32, #tpu.memory_space<vmem>>, %arg6: memref<1x1024xf32, #tpu.memory_space<vmem>>, %arg7: memref<1x1024xf32, #tpu.memory_space<vmem>>, %arg8: memref<256x1024xbf16, #tpu.memory_space<vmem>>, %arg9: memref<256x1024xbf16, #tpu.memory_space<vmem>>, %arg10: memref<256x1024xbf16, #tpu.memory_space<vmem>>) attributes {dimension_semantics = [#tpu.dimension_semantics<arbitrary>], iteration_bounds = array<i64: 8>, scalar_prefetch = 0 : i64, scratch_operands = 0 : i64, tpu.core_type = #tpu.core_type<tc>, window_params = [{transform_indices = @transform_0, window_bounds = array<i64: 256, 1024>}, {pipeline_mode = #tpu.pipeline_mode<synchronous>, transform_indices = @transform_1, window_bounds = array<i64: 1024, 1024>}, {pipeline_mode = #tpu.pipeline_mode<synchronous>, transform_indices = @transform_2, window_bounds = array<i64: 1024, 1024>}, {pipeline_mode = #tpu.pipeline_mode<synchronous>, transform_indices = @transform_3, window_bounds = array<i64: 1024, 1024>}, {pipeline_mode = #tpu.pipeline_mode<synchronous>, transform_indices = @transform_4, window_bounds = array<i64: 1, 1024>}, {pipeline_mode = #tpu.pipeline_mode<synchronous>, transform_indices = @transform_5, window_bounds = array<i64: 1, 1024>}, {pipeline_mode = #tpu.pipeline_mode<synchronous>, transform_indices = @transform_6, window_bounds = array<i64: 1, 1024>}, {transform_indices = @transform_7, window_bounds = array<i64: 256, 1024>}, {transform_indices = @transform_8, window_bounds = array<i64: 256, 1024>}, {transform_indices = @transform_9, window_bounds = array<i64: 256, 1024>}]} {
    %get3A = arith.constant 0 : index
    %get3A_0 = arith.constant 0 : index
    %get3A_1 = vector.load %arg1[%get3A, %get3A_0] : memref<256x1024xf32, #tpu.memory_space<vmem>>, vector<256x1024xf32>
    %convert_element_type3A = arith.truncf %get3A_1 : vector<256x1024xf32> to vector<256x1024xbf16>
    %get3A_2 = arith.constant 0 : index
    %get3A_3 = arith.constant 0 : index
    %get3A_4 = vector.load %arg2[%get3A_2, %get3A_3] : memref<1024x1024xbf16, #tpu.memory_space<vmem>>, vector<1024x1024xbf16>
    %dot_general3A = arith.constant dense<0.000000e+00> : vector<256x1024xf32>
    %dot_general3A_5 = tpu.matmul %convert_element_type3A, %get3A_4, %dot_general3A {dimension_numbers = #tpu.dot_dimension_numbers<[1], [0], [0], [1], [0, 0, 1, 1], [], []>, transpose_lhs_hint = false} : vector<256x1024xbf16>, vector<1024x1024xbf16>, vector<256x1024xf32> -> vector<256x1024xf32>
    %get3A_6 = arith.constant 0 : index
    %get3A_7 = arith.constant 0 : index
    %get3A_8 = vector.load %arg5[%get3A_6, %get3A_7] : memref<1x1024xf32, #tpu.memory_space<vmem>>, vector<1x1024xf32>
    %add3A = vector.broadcast %get3A_8 : vector<1x1024xf32> to vector<256x1024xf32>
    %add3A_9 = arith.addf %dot_general3A_5, %add3A : vector<256x1024xf32>
    %get3A_10 = arith.constant 0 : index
    %get3A_11 = arith.constant 0 : index
    %get3A_12 = vector.load %arg3[%get3A_10, %get3A_11] : memref<1024x1024xbf16, #tpu.memory_space<vmem>>, vector<1024x1024xbf16>
    %dot_general3A_13 = arith.constant dense<0.000000e+00> : vector<256x1024xf32>
    %dot_general3A_14 = tpu.matmul %convert_element_type3A, %get3A_12, %dot_general3A_13 {dimension_numbers = #tpu.dot_dimension_numbers<[1], [0], [0], [1], [0, 0, 1, 1], [], []>, transpose_lhs_hint = false} : vector<256x1024xbf16>, vector<1024x1024xbf16>, vector<256x1024xf32> -> vector<256x1024xf32>
    %get3A_15 = arith.constant 0 : index
    %get3A_16 = arith.constant 0 : index
    %get3A_17 = vector.load %arg6[%get3A_15, %get3A_16] : memref<1x1024xf32, #tpu.memory_space<vmem>>, vector<1x1024xf32>
    %add3A_18 = vector.broadcast %get3A_17 : vector<1x1024xf32> to vector<256x1024xf32>
    %add3A_19 = arith.addf %dot_general3A_14, %add3A_18 : vector<256x1024xf32>
    %get3A_20 = arith.constant 0 : index
    %get3A_21 = arith.constant 0 : index
    %get3A_22 = vector.load %arg4[%get3A_20, %get3A_21] : memref<1024x1024xbf16, #tpu.memory_space<vmem>>, vector<1024x1024xbf16>
    %dot_general3A_23 = arith.constant dense<0.000000e+00> : vector<256x1024xf32>
    %dot_general3A_24 = tpu.matmul %convert_element_type3A, %get3A_22, %dot_general3A_23 {dimension_numbers = #tpu.dot_dimension_numbers<[1], [0], [0], [1], [0, 0, 1, 1], [], []>, transpose_lhs_hint = false} : vector<256x1024xbf16>, vector<1024x1024xbf16>, vector<256x1024xf32> -> vector<256x1024xf32>
    %get3A_25 = arith.constant 0 : index
    %get3A_26 = arith.constant 0 : index
    %get3A_27 = vector.load %arg7[%get3A_25, %get3A_26] : memref<1x1024xf32, #tpu.memory_space<vmem>>, vector<1x1024xf32>
    %add3A_28 = vector.broadcast %get3A_27 : vector<1x1024xf32> to vector<256x1024xf32>
    %add3A_29 = arith.addf %dot_general3A_24, %add3A_28 : vector<256x1024xf32>
    %convert_element_type3A_30 = arith.truncf %add3A_9 : vector<256x1024xf32> to vector<256x1024xbf16>
    %swap3A = arith.constant 0 : index
    %swap3A_31 = arith.constant 0 : index
    %swap3A_32 = vector.load %arg8[%swap3A, %swap3A_31] : memref<256x1024xbf16, #tpu.memory_space<vmem>>, vector<256x1024xbf16>
    tpu.vector_store %arg8[%swap3A, %swap3A_31], %convert_element_type3A_30 {strides = array<i32>} : memref<256x1024xbf16, #tpu.memory_space<vmem>>, vector<256x1024xbf16>,
    %convert_element_type3A_33 = arith.truncf %add3A_19 : vector<256x1024xf32> to vector<256x1024xbf16>
    %swap3A_34 = arith.constant 0 : index
    %swap3A_35 = arith.constant 0 : index
    %swap3A_36 = vector.load %arg9[%swap3A_34, %swap3A_35] : memref<256x1024xbf16, #tpu.memory_space<vmem>>, vector<256x1024xbf16>
    tpu.vector_store %arg9[%swap3A_34, %swap3A_35], %convert_element_type3A_33 {strides = array<i32>} : memref<256x1024xbf16, #tpu.memory_space<vmem>>, vector<256x1024xbf16>,
    %convert_element_type3A_37 = arith.truncf %add3A_29 : vector<256x1024xf32> to vector<256x1024xbf16>
    %swap3A_38 = arith.constant 0 : index
    %swap3A_39 = arith.constant 0 : index
    %swap3A_40 = vector.load %arg10[%swap3A_38, %swap3A_39] : memref<256x1024xbf16, #tpu.memory_space<vmem>>, vector<256x1024xbf16>
    tpu.vector_store %arg10[%swap3A_38, %swap3A_39], %convert_element_type3A_37 {strides = array<i32>} : memref<256x1024xbf16, #tpu.memory_space<vmem>>, vector<256x1024xbf16>,
    return
  }
  func.func @transform_0(%arg0: i32) -> (i32, i32) {
    %c0_i32 = arith.constant 0 : i32
    %c0_i32_0 = arith.constant 0 : i32
    return %arg0, %c0_i32 : i32, i32
  }
  func.func @transform_1(%arg0: i32) -> (i32, i32) {
    %c0_i32 = arith.constant 0 : i32
    %c0_i32_0 = arith.constant 0 : i32
    %c0_i32_1 = arith.constant 0 : i32
    return %c0_i32, %c0_i32_0 : i32, i32
  }
  func.func @transform_2(%arg0: i32) -> (i32, i32) {
    %c0_i32 = arith.constant 0 : i32
    %c0_i32_0 = arith.constant 0 : i32
    %c0_i32_1 = arith.constant 0 : i32
    return %c0_i32, %c0_i32_0 : i32, i32
  }
  func.func @transform_3(%arg0: i32) -> (i32, i32) {
    %c0_i32 = arith.constant 0 : i32
    %c0_i32_0 = arith.constant 0 : i32
    %c0_i32_1 = arith.constant 0 : i32
    return %c0_i32, %c0_i32_0 : i32, i32
  }
  func.func @transform_4(%arg0: i32) -> (i32, i32) {
    %c0_i32 = arith.constant 0 : i32
    %c0_i32_0 = arith.constant 0 : i32
    %c0_i32_1 = arith.constant 0 : i32
    return %c0_i32, %c0_i32_0 : i32, i32
  }
  func.func @transform_5(%arg0: i32) -> (i32, i32) {
    %c0_i32 = arith.constant 0 : i32
    %c0_i32_0 = arith.constant 0 : i32
    %c0_i32_1 = arith.constant 0 : i32
    return %c0_i32, %c0_i32_0 : i32, i32
  }
  func.func @transform_6(%arg0: i32) -> (i32, i32) {
    %c0_i32 = arith.constant 0 : i32
    %c0_i32_0 = arith.constant 0 : i32
    %c0_i32_1 = arith.constant 0 : i32
    return %c0_i32, %c0_i32_0 : i32, i32
  }
  func.func @transform_7(%arg0: i32) -> (i32, i32) {
    %c0_i32 = arith.constant 0 : i32
    %c0_i32_0 = arith.constant 0 : i32
    return %arg0, %c0_i32 : i32, i32
  }
  func.func @transform_8(%arg0: i32) -> (i32, i32) {
    %c0_i32 = arith.constant 0 : i32
    %c0_i32_0 = arith.constant 0 : i32
    return %arg0, %c0_i32 : i32, i32
  }
  func.func @transform_9(%arg0: i32) -> (i32, i32) {
    %c0_i32 = arith.constant 0 : i32
    %c0_i32_0 = arith.constant 0 : i32
    return %arg0, %c0_i32 : i32, i32
  }
}

module attributes {stable_mosaic.version = 14 : i64} {
  func.func @_block_body(%arg0: i32, %arg1: memref<256x1024xbf16, #tpu.memory_space<vmem>>, %arg2: memref<1024x1024xbf16, #tpu.memory_space<vmem>>, %arg3: memref<1x1024xf32, #tpu.memory_space<vmem>>, %arg4: memref<256x1024xf32, #tpu.memory_space<vmem>>, %arg5: memref<1x1024xf32, #tpu.memory_space<vmem>>, %arg6: memref<1x1024xf32, #tpu.memory_space<vmem>>, %arg7: memref<1024x4096xbf16, #tpu.memory_space<vmem>>, %arg8: memref<1x4096xf32, #tpu.memory_space<vmem>>, %arg9: memref<4096x1024xbf16, #tpu.memory_space<vmem>>, %arg10: memref<1x1024xf32, #tpu.memory_space<vmem>>, %arg11: memref<1x1024xf32, #tpu.memory_space<vmem>>, %arg12: memref<1x1024xf32, #tpu.memory_space<vmem>>, %arg13: memref<256x1024xf32, #tpu.memory_space<vmem>>) attributes {dimension_semantics = [#tpu.dimension_semantics<arbitrary>], iteration_bounds = array<i64: 8>, scalar_prefetch = 0 : i64, scratch_operands = 0 : i64, tpu.core_type = #tpu.core_type<tc>, window_params = [{transform_indices = @transform_0, window_bounds = array<i64: 256, 1024>}, {pipeline_mode = #tpu.pipeline_mode<synchronous>, transform_indices = @transform_1, window_bounds = array<i64: 1024, 1024>}, {pipeline_mode = #tpu.pipeline_mode<synchronous>, transform_indices = @transform_2, window_bounds = array<i64: 1, 1024>}, {transform_indices = @transform_3, window_bounds = array<i64: 256, 1024>}, {pipeline_mode = #tpu.pipeline_mode<synchronous>, transform_indices = @transform_4, window_bounds = array<i64: 1, 1024>}, {pipeline_mode = #tpu.pipeline_mode<synchronous>, transform_indices = @transform_5, window_bounds = array<i64: 1, 1024>}, {pipeline_mode = #tpu.pipeline_mode<synchronous>, transform_indices = @transform_6, window_bounds = array<i64: 1024, 4096>}, {pipeline_mode = #tpu.pipeline_mode<synchronous>, transform_indices = @transform_7, window_bounds = array<i64: 1, 4096>}, {pipeline_mode = #tpu.pipeline_mode<synchronous>, transform_indices = @transform_8, window_bounds = array<i64: 4096, 1024>}, {pipeline_mode = #tpu.pipeline_mode<synchronous>, transform_indices = @transform_9, window_bounds = array<i64: 1, 1024>}, {pipeline_mode = #tpu.pipeline_mode<synchronous>, transform_indices = @transform_10, window_bounds = array<i64: 1, 1024>}, {pipeline_mode = #tpu.pipeline_mode<synchronous>, transform_indices = @transform_11, window_bounds = array<i64: 1, 1024>}, {transform_indices = @transform_12, window_bounds = array<i64: 256, 1024>}]} {
    %get3A = arith.constant 0 : index
    %get3A_0 = arith.constant 0 : index
    %get3A_1 = vector.load %arg1[%get3A, %get3A_0] : memref<256x1024xbf16, #tpu.memory_space<vmem>>, vector<256x1024xbf16>
    %get3A_2 = arith.constant 0 : index
    %get3A_3 = arith.constant 0 : index
    %get3A_4 = vector.load %arg2[%get3A_2, %get3A_3] : memref<1024x1024xbf16, #tpu.memory_space<vmem>>, vector<1024x1024xbf16>
    %dot_general3A = arith.constant dense<0.000000e+00> : vector<256x1024xf32>
    %dot_general3A_5 = tpu.matmul %get3A_1, %get3A_4, %dot_general3A {dimension_numbers = #tpu.dot_dimension_numbers<[1], [0], [0], [1], [0, 0, 1, 1], [], []>, transpose_lhs_hint = false} : vector<256x1024xbf16>, vector<1024x1024xbf16>, vector<256x1024xf32> -> vector<256x1024xf32>
    %get3A_6 = arith.constant 0 : index
    %get3A_7 = arith.constant 0 : index
    %get3A_8 = vector.load %arg3[%get3A_6, %get3A_7] : memref<1x1024xf32, #tpu.memory_space<vmem>>, vector<1x1024xf32>
    %add3A = vector.broadcast %get3A_8 : vector<1x1024xf32> to vector<256x1024xf32>
    %add3A_9 = arith.addf %dot_general3A_5, %add3A : vector<256x1024xf32>
    %get3A_10 = arith.constant 0 : index
    %get3A_11 = arith.constant 0 : index
    %get3A_12 = vector.load %arg4[%get3A_10, %get3A_11] : memref<256x1024xf32, #tpu.memory_space<vmem>>, vector<256x1024xf32>
    %add3A_13 = arith.addf %add3A_9, %get3A_12 : vector<256x1024xf32>
    %get3A_14 = arith.constant 0 : index
    %get3A_15 = arith.constant 0 : index
    %get3A_16 = vector.load %arg5[%get3A_14, %get3A_15] : memref<1x1024xf32, #tpu.memory_space<vmem>>, vector<1x1024xf32>
    %get3A_17 = arith.constant 0 : index
    %get3A_18 = arith.constant 0 : index
    %get3A_19 = vector.load %arg6[%get3A_17, %get3A_18] : memref<1x1024xf32, #tpu.memory_space<vmem>>, vector<1x1024xf32>
    %reduce_sum3A = arith.constant dense<0.000000e+00> : vector<256xf32>
    %reduce_sum3A_20 = vector.multi_reduction <add>, %add3A_13, %reduce_sum3A [1] : vector<256x1024xf32> to vector<256xf32>
    %broadcast_in_dim3A = vector.shape_cast %reduce_sum3A_20 : vector<256xf32> to vector<256x1xf32>
    %div3A = arith.constant 1.024000e+03 : f32
    %div3A_21 = vector.broadcast %div3A : f32 to vector<256x1xf32>
    %div3A_22 = arith.divf %broadcast_in_dim3A, %div3A_21 : vector<256x1xf32>
    %sub3A = vector.broadcast %div3A_22 : vector<256x1xf32> to vector<256x1024xf32>
    %sub3A_23 = arith.subf %add3A_13, %sub3A : vector<256x1024xf32>
    %square3A = arith.mulf %sub3A_23, %sub3A_23 : vector<256x1024xf32>
    %reduce_sum3A_24 = arith.constant dense<0.000000e+00> : vector<256xf32>
    %reduce_sum3A_25 = vector.multi_reduction <add>, %square3A, %reduce_sum3A_24 [1] : vector<256x1024xf32> to vector<256xf32>
    %broadcast_in_dim3A_26 = vector.shape_cast %reduce_sum3A_25 : vector<256xf32> to vector<256x1xf32>
    %div3A_27 = arith.constant 1.024000e+03 : f32
    %div3A_28 = vector.broadcast %div3A_27 : f32 to vector<256x1xf32>
    %div3A_29 = arith.divf %broadcast_in_dim3A_26, %div3A_28 : vector<256x1xf32>
    %sub3A_30 = vector.broadcast %div3A_22 : vector<256x1xf32> to vector<256x1024xf32>
    %sub3A_31 = arith.subf %add3A_13, %sub3A_30 : vector<256x1024xf32>
    %add3A_32 = arith.constant 1.000000e-03 : f32
    %add3A_33 = vector.broadcast %add3A_32 : f32 to vector<256x1xf32>
    %add3A_34 = arith.addf %div3A_29, %add3A_33 : vector<256x1xf32>
    %sqrt3A = math.sqrt %add3A_34 : vector<256x1xf32>
    %div3A_35 = vector.broadcast %sqrt3A : vector<256x1xf32> to vector<256x1024xf32>
    %div3A_36 = arith.divf %sub3A_31, %div3A_35 : vector<256x1024xf32>
    %mul3A = vector.broadcast %get3A_16 : vector<1x1024xf32> to vector<256x1024xf32>
    %mul3A_37 = arith.mulf %div3A_36, %mul3A : vector<256x1024xf32>
    %add3A_38 = vector.broadcast %get3A_19 : vector<1x1024xf32> to vector<256x1024xf32>
    %add3A_39 = arith.addf %mul3A_37, %add3A_38 : vector<256x1024xf32>
    %convert_element_type3A = arith.truncf %add3A_39 : vector<256x1024xf32> to vector<256x1024xbf16>
    %get3A_40 = arith.constant 0 : index
    %get3A_41 = arith.constant 0 : index
    %get3A_42 = vector.load %arg7[%get3A_40, %get3A_41] : memref<1024x4096xbf16, #tpu.memory_space<vmem>>, vector<1024x4096xbf16>
    %dot_general3A_43 = arith.constant dense<0.000000e+00> : vector<256x4096xf32>
    %dot_general3A_44 = tpu.matmul %convert_element_type3A, %get3A_42, %dot_general3A_43 {dimension_numbers = #tpu.dot_dimension_numbers<[1], [0], [0], [1], [0, 0, 1, 1], [], []>, transpose_lhs_hint = false} : vector<256x1024xbf16>, vector<1024x4096xbf16>, vector<256x4096xf32> -> vector<256x4096xf32>
    %get3A_45 = arith.constant 0 : index
    %get3A_46 = arith.constant 0 : index
    %get3A_47 = vector.load %arg8[%get3A_45, %get3A_46] : memref<1x4096xf32, #tpu.memory_space<vmem>>, vector<1x4096xf32>
    %add3A_48 = vector.broadcast %get3A_47 : vector<1x4096xf32> to vector<256x4096xf32>
    %add3A_49 = arith.addf %dot_general3A_44, %add3A_48 : vector<256x4096xf32>
    %max3A = arith.constant 0.000000e+00 : f32
    %max3A_50 = vector.broadcast %max3A : f32 to vector<256x4096xf32>
    %max3A_51 = arith.maximumf %add3A_49, %max3A_50 : vector<256x4096xf32>
    %convert_element_type3A_52 = arith.truncf %max3A_51 : vector<256x4096xf32> to vector<256x4096xbf16>
    %get3A_53 = arith.constant 0 : index
    %get3A_54 = arith.constant 0 : index
    %get3A_55 = vector.load %arg9[%get3A_53, %get3A_54] : memref<4096x1024xbf16, #tpu.memory_space<vmem>>, vector<4096x1024xbf16>
    %dot_general3A_56 = arith.constant dense<0.000000e+00> : vector<256x1024xf32>
    %dot_general3A_57 = tpu.matmul %convert_element_type3A_52, %get3A_55, %dot_general3A_56 {dimension_numbers = #tpu.dot_dimension_numbers<[1], [0], [0], [1], [0, 0, 1, 1], [], []>, transpose_lhs_hint = false} : vector<256x4096xbf16>, vector<4096x1024xbf16>, vector<256x1024xf32> -> vector<256x1024xf32>
    %get3A_58 = arith.constant 0 : index
    %get3A_59 = arith.constant 0 : index
    %get3A_60 = vector.load %arg10[%get3A_58, %get3A_59] : memref<1x1024xf32, #tpu.memory_space<vmem>>, vector<1x1024xf32>
    %add3A_61 = vector.broadcast %get3A_60 : vector<1x1024xf32> to vector<256x1024xf32>
    %add3A_62 = arith.addf %dot_general3A_57, %add3A_61 : vector<256x1024xf32>
    %add3A_63 = arith.addf %add3A_62, %add3A_39 : vector<256x1024xf32>
    %get3A_64 = arith.constant 0 : index
    %get3A_65 = arith.constant 0 : index
    %get3A_66 = vector.load %arg11[%get3A_64, %get3A_65] : memref<1x1024xf32, #tpu.memory_space<vmem>>, vector<1x1024xf32>
    %get3A_67 = arith.constant 0 : index
    %get3A_68 = arith.constant 0 : index
    %get3A_69 = vector.load %arg12[%get3A_67, %get3A_68] : memref<1x1024xf32, #tpu.memory_space<vmem>>, vector<1x1024xf32>
    %reduce_sum3A_70 = arith.constant dense<0.000000e+00> : vector<256xf32>
    %reduce_sum3A_71 = vector.multi_reduction <add>, %add3A_63, %reduce_sum3A_70 [1] : vector<256x1024xf32> to vector<256xf32>
    %broadcast_in_dim3A_72 = vector.shape_cast %reduce_sum3A_71 : vector<256xf32> to vector<256x1xf32>
    %div3A_73 = arith.constant 1.024000e+03 : f32
    %div3A_74 = vector.broadcast %div3A_73 : f32 to vector<256x1xf32>
    %div3A_75 = arith.divf %broadcast_in_dim3A_72, %div3A_74 : vector<256x1xf32>
    %sub3A_76 = vector.broadcast %div3A_75 : vector<256x1xf32> to vector<256x1024xf32>
    %sub3A_77 = arith.subf %add3A_63, %sub3A_76 : vector<256x1024xf32>
    %square3A_78 = arith.mulf %sub3A_77, %sub3A_77 : vector<256x1024xf32>
    %reduce_sum3A_79 = arith.constant dense<0.000000e+00> : vector<256xf32>
    %reduce_sum3A_80 = vector.multi_reduction <add>, %square3A_78, %reduce_sum3A_79 [1] : vector<256x1024xf32> to vector<256xf32>
    %broadcast_in_dim3A_81 = vector.shape_cast %reduce_sum3A_80 : vector<256xf32> to vector<256x1xf32>
    %div3A_82 = arith.constant 1.024000e+03 : f32
    %div3A_83 = vector.broadcast %div3A_82 : f32 to vector<256x1xf32>
    %div3A_84 = arith.divf %broadcast_in_dim3A_81, %div3A_83 : vector<256x1xf32>
    %sub3A_85 = vector.broadcast %div3A_75 : vector<256x1xf32> to vector<256x1024xf32>
    %sub3A_86 = arith.subf %add3A_63, %sub3A_85 : vector<256x1024xf32>
    %add3A_87 = arith.constant 1.000000e-03 : f32
    %add3A_88 = vector.broadcast %add3A_87 : f32 to vector<256x1xf32>
    %add3A_89 = arith.addf %div3A_84, %add3A_88 : vector<256x1xf32>
    %sqrt3A_90 = math.sqrt %add3A_89 : vector<256x1xf32>
    %div3A_91 = vector.broadcast %sqrt3A_90 : vector<256x1xf32> to vector<256x1024xf32>
    %div3A_92 = arith.divf %sub3A_86, %div3A_91 : vector<256x1024xf32>
    %mul3A_93 = vector.broadcast %get3A_66 : vector<1x1024xf32> to vector<256x1024xf32>
    %mul3A_94 = arith.mulf %div3A_92, %mul3A_93 : vector<256x1024xf32>
    %add3A_95 = vector.broadcast %get3A_69 : vector<1x1024xf32> to vector<256x1024xf32>
    %add3A_96 = arith.addf %mul3A_94, %add3A_95 : vector<256x1024xf32>
    %swap3A = arith.constant 0 : index
    %swap3A_97 = arith.constant 0 : index
    %swap3A_98 = vector.load %arg13[%swap3A, %swap3A_97] : memref<256x1024xf32, #tpu.memory_space<vmem>>, vector<256x1024xf32>
    tpu.vector_store %arg13[%swap3A, %swap3A_97], %add3A_96 {strides = array<i32>} : memref<256x1024xf32, #tpu.memory_space<vmem>>, vector<256x1024xf32>,
    return
  }
  func.func @transform_0(%arg0: i32) -> (i32, i32) {
    %c0_i32 = arith.constant 0 : i32
    %c0_i32_0 = arith.constant 0 : i32
    return %arg0, %c0_i32 : i32, i32
  }
  func.func @transform_1(%arg0: i32) -> (i32, i32) {
    %c0_i32 = arith.constant 0 : i32
    %c0_i32_0 = arith.constant 0 : i32
    %c0_i32_1 = arith.constant 0 : i32
    return %c0_i32, %c0_i32_0 : i32, i32
  }
  func.func @transform_2(%arg0: i32) -> (i32, i32) {
    %c0_i32 = arith.constant 0 : i32
    %c0_i32_0 = arith.constant 0 : i32
    %c0_i32_1 = arith.constant 0 : i32
    return %c0_i32, %c0_i32_0 : i32, i32
  }
  func.func @transform_3(%arg0: i32) -> (i32, i32) {
    %c0_i32 = arith.constant 0 : i32
    %c0_i32_0 = arith.constant 0 : i32
    return %arg0, %c0_i32 : i32, i32
  }
  func.func @transform_4(%arg0: i32) -> (i32, i32) {
    %c0_i32 = arith.constant 0 : i32
    %c0_i32_0 = arith.constant 0 : i32
    %c0_i32_1 = arith.constant 0 : i32
    return %c0_i32, %c0_i32_0 : i32, i32
  }
  func.func @transform_5(%arg0: i32) -> (i32, i32) {
    %c0_i32 = arith.constant 0 : i32
    %c0_i32_0 = arith.constant 0 : i32
    %c0_i32_1 = arith.constant 0 : i32
    return %c0_i32, %c0_i32_0 : i32, i32
  }
  func.func @transform_6(%arg0: i32) -> (i32, i32) {
    %c0_i32 = arith.constant 0 : i32
    %c0_i32_0 = arith.constant 0 : i32
    %c0_i32_1 = arith.constant 0 : i32
    return %c0_i32, %c0_i32_0 : i32, i32
  }
  func.func @transform_7(%arg0: i32) -> (i32, i32) {
    %c0_i32 = arith.constant 0 : i32
    %c0_i32_0 = arith.constant 0 : i32
    %c0_i32_1 = arith.constant 0 : i32
    return %c0_i32, %c0_i32_0 : i32, i32
  }
  func.func @transform_8(%arg0: i32) -> (i32, i32) {
    %c0_i32 = arith.constant 0 : i32
    %c0_i32_0 = arith.constant 0 : i32
    %c0_i32_1 = arith.constant 0 : i32
    return %c0_i32, %c0_i32_0 : i32, i32
  }
  func.func @transform_9(%arg0: i32) -> (i32, i32) {
    %c0_i32 = arith.constant 0 : i32
    %c0_i32_0 = arith.constant 0 : i32
    %c0_i32_1 = arith.constant 0 : i32
    return %c0_i32, %c0_i32_0 : i32, i32
  }
  func.func @transform_10(%arg0: i32) -> (i32, i32) {
    %c0_i32 = arith.constant 0 : i32
    %c0_i32_0 = arith.constant 0 : i32
    %c0_i32_1 = arith.constant 0 : i32
    return %c0_i32, %c0_i32_0 : i32, i32
  }
  func.func @transform_11(%arg0: i32) -> (i32, i32) {
    %c0_i32 = arith.constant 0 : i32
    %c0_i32_0 = arith.constant 0 : i32
    %c0_i32_1 = arith.constant 0 : i32
    return %c0_i32, %c0_i32_0 : i32, i32
  }
  func.func @transform_12(%arg0: i32) -> (i32, i32) {
    %c0_i32 = arith.constant 0 : i32
    %c0_i32_0 = arith.constant 0 : i32
    return %arg0, %c0_i32 : i32, i32
  }
}

module attributes {stable_mosaic.version = 14 : i64} {
  func.func @_out_body(%arg0: i32, %arg1: i32, %arg2: memref<256x1024xf32, #tpu.memory_space<vmem>>, %arg3: memref<1024x3200xbf16, #tpu.memory_space<vmem>>, %arg4: memref<1x3200xf32, #tpu.memory_space<vmem>>, %arg5: memref<256x3200xf32, #tpu.memory_space<vmem>>) attributes {dimension_semantics = [#tpu.dimension_semantics<arbitrary>, #tpu.dimension_semantics<arbitrary>], iteration_bounds = array<i64: 5, 8>, scalar_prefetch = 0 : i64, scratch_operands = 0 : i64, tpu.core_type = #tpu.core_type<tc>, window_params = [{transform_indices = @transform_0, window_bounds = array<i64: 256, 1024>}, {transform_indices = @transform_1, window_bounds = array<i64: 1024, 3200>}, {transform_indices = @transform_2, window_bounds = array<i64: 1, 3200>}, {transform_indices = @transform_3, window_bounds = array<i64: 256, 3200>}]} {
    %get3A = arith.constant 0 : index
    %get3A_0 = arith.constant 0 : index
    %get3A_1 = vector.load %arg2[%get3A, %get3A_0] : memref<256x1024xf32, #tpu.memory_space<vmem>>, vector<256x1024xf32>
    %convert_element_type3A = arith.truncf %get3A_1 : vector<256x1024xf32> to vector<256x1024xbf16>
    %get3A_2 = arith.constant 0 : index
    %get3A_3 = arith.constant 0 : index
    %get3A_4 = vector.load %arg3[%get3A_2, %get3A_3] : memref<1024x3200xbf16, #tpu.memory_space<vmem>>, vector<1024x3200xbf16>
    %dot_general3A = arith.constant dense<0.000000e+00> : vector<256x3200xf32>
    %dot_general3A_5 = tpu.matmul %convert_element_type3A, %get3A_4, %dot_general3A {dimension_numbers = #tpu.dot_dimension_numbers<[1], [0], [0], [1], [0, 0, 1, 1], [], []>, transpose_lhs_hint = false} : vector<256x1024xbf16>, vector<1024x3200xbf16>, vector<256x3200xf32> -> vector<256x3200xf32>
    %get3A_6 = arith.constant 0 : index
    %get3A_7 = arith.constant 0 : index
    %get3A_8 = vector.load %arg4[%get3A_6, %get3A_7] : memref<1x3200xf32, #tpu.memory_space<vmem>>, vector<1x3200xf32>
    %add3A = vector.broadcast %get3A_8 : vector<1x3200xf32> to vector<256x3200xf32>
    %add3A_9 = arith.addf %dot_general3A_5, %add3A : vector<256x3200xf32>
    %swap3A = arith.constant 0 : index
    %swap3A_10 = arith.constant 0 : index
    %swap3A_11 = vector.load %arg5[%swap3A, %swap3A_10] : memref<256x3200xf32, #tpu.memory_space<vmem>>, vector<256x3200xf32>
    tpu.vector_store %arg5[%swap3A, %swap3A_10], %add3A_9 {strides = array<i32>} : memref<256x3200xf32, #tpu.memory_space<vmem>>, vector<256x3200xf32>,
    return
  }
  func.func @transform_0(%arg0: i32, %arg1: i32) -> (i32, i32) {
    %c0_i32 = arith.constant 0 : i32
    %c0_i32_0 = arith.constant 0 : i32
    return %arg1, %c0_i32 : i32, i32
  }
  func.func @transform_1(%arg0: i32, %arg1: i32) -> (i32, i32) {
    %c0_i32 = arith.constant 0 : i32
    %c0_i32_0 = arith.constant 0 : i32
    return %c0_i32, %arg0 : i32, i32
  }
  func.func @transform_2(%arg0: i32, %arg1: i32) -> (i32, i32) {
    %c0_i32 = arith.constant 0 : i32
    %c0_i32_0 = arith.constant 0 : i32
    return %c0_i32, %arg0 : i32, i32
  }
  func.func @transform_3(%arg0: i32, %arg1: i32) -> (i32, i32) {
    %c0_i32 = arith.constant 0 : i32
    return %arg1, %arg0 : i32, i32
  }
}

</mosaic_0001>

<sc_bundles>
// kernel: kernel.16.cloned.1.call-start
scs
__scs_entry_jumppad:
0x0: {  	(pc) =	sbr.rel $0x88, $3  }
0x1: {  	(tag) =	ssettag $0x0;
	lr =	simm.s32 $0x1  }
0x2: {  	[smem:$0x3F8C] =	sst lr;
	_ =	strace $0xD0000000  }
0x3: {  	_ = 	snop  }
0x4: {  	_ = 	snop  }
0x5: {  	_ = 	snop  }
0x6: {  	_ = 	snop  }
0x7: {  	_ = 	snop  }
__scs_overlays_trampoline_lowered:
0x8: {  	[smem:$0x3F9B] =	sst s0  }
0x9: {  	[smem:$0x3F9C] =	sst s1  }
0xa: {  	[smem:$0x3F9D] =	sst s2  }
0xb: {  	[smem:$0x3F9E] =	sst s3  }
0xc: {  	[smem:$0x3F9F] =	sst s4  }
0xd: {  	[smem:$0x3FA0] =	sst s5  }
0xe: {  	[smem:$0x3FA1] =	sst s6  }
0xf: {  	[smem:$0x3FA2] =	sst s7  }
0x10: {  	[smem:$0x3FA3] =	sst s8  }
0x11: {  	[smem:$0x3FA4] =	sst s9;
	s0 =	simm.s32 @!p0 $0x0  }
0x12: {  	s1 =	sld [smem:$0x3F8A];
	s0 =	simm.s32 @p0 $0x1  }
0x13: {  	[smem:$0x3FA5] =	sst s0;
	s0 =	simm.s32 @!p1 $0x0  }
0x14: {  	s2 =	sld [smem:$0x3F89];
	s0 =	simm.s32 @p1 $0x1  }
0x15: {  	[smem:$0x3FA6] =	sst s0;
	s0 =	simm.s32 @!p2 $0x0  }
0x16: {  	s3 =	sld [smem:$0x3FDB];
	s0 =	simm.s32 @p2 $0x1  }
0x17: {  	s4 =	simm.s32 $0x1BF5;
	[smem:$0x3FA8] =	sst s0  }
0x18: {  	s0 =	sld [smem:$0x3F8B];
	_ =	swait.ge [sflag:s4], $0x0  }
0x19: {  	s7 =	sld [smem:$0x3F8C]  }
0x1a: {  	s8 =	sadd.s32 $0xFFFFE003, lr  }
0x1b: {  	s9 =	sadd.s32 $0xFFFFFEF7, lr;
	s5 =	simm.s32 $0xFFFFFFFF;
	p2 =	slt.u32 s8, $0xFFFFF086  }
0x1c: {  	p1 =	slt.u32 s9, $0xF7A;
	s5 =	simm.s32 @!p2 $0x0  }
0x1d: {  	s5 =	simm.s32 @p1 $0x1;
	p0 =	seq.s32 s7, s2  }
0x1e: {  	s7 =	smul.u32 @!p0 $0xF7A, s2;
	p2 =	seq.s32 @!p0 s5, $0x0  }
0x1f: {  	s9 =	smul.u32 $0xF7A, s1;
	s8 =	simm.s32 @!p0 $0x1BF5;
	p2 =	por !p2, p0  }
0x20: {  	[sflag:s8] =	ssyncset.s32 @!p0 $0xFFFFF086;
	s6 =	sadd.s32 @!p0 s3, s7;
	s7 =	simm.s32 @!p0 $0x108  }
0x21: {  	s3 =	sadd.s32 s3, s9;
	s6 =	sadd.s32 @!p0 $0x88, s6;
	s7 =	simm.s32 @p2 $0x1082  }
0x22: {  	[simem:s7], [sflag:s8] =	dma.local @!p0 [hbm:s6], $0xF7A  }
0x23: {  	s9 =	sor.u32 $0xD0000000, s2;
	s6 =	simm.s32 $0x108;
	_ =	swait.ge @!p0 [sflag:s8], $0x0  }
0x24: {  	s3 =	sadd.s32 $0x88, s3;
	s6 =	simm.s32 @!p1 $0x1082;
	[sflag:s4] =	ssyncset.s32 $0xFFFFF086  }
0x25: {  	[simem:s6], [sflag:s4] =	dma.local [hbm:s3], $0xF7A  }
0x26: {  	[smem:$0x3F8C] =	sst s1;
	(tag) =	ssettag s2;
	_ =	strace s9  }
0x27: {  	s1 =	sld [smem:$0x3F9C]  }
0x28: {  	s2 =	sld [smem:$0x3F9D]  }
0x29: {  	s4 =	sld [smem:$0x3F9F]  }
0x2a: {  	p0 =	seq.s32 s5, $0x0;
	s5 =	sld [smem:$0x3FA0]  }
0x2b: {  	s6 =	sld [smem:$0x3FA1]  }
0x2c: {  	s7 =	sld [smem:$0x3FA2]  }
0x2d: {  	s3 =	simm.s32 $0x108;
	s8 =	sld [smem:$0x3FA3]  }
0x2e: {  	s3 =	simm.s32 @!p0 $0x1082;
	s9 =	sld [smem:$0x3FA4]  }
0x2f: {  	lr =	sadd.s32 s0, s3;
	s0 =	sld [smem:$0x3F9B]  }
0x30: {  	s3 =	sld [smem:$0x3F9E]  }
0x31: {  	[smem:$0x3FA7] =	sst s10  }
0x32: {  	s10 =	sld [smem:$0x3FA5];
	_ =	sdelay $0x3  }
0x33: {  	p0 =	seq.s32 s10, $0x1;
	s10 =	sld [smem:$0x3FA7];
	_ =	sdelay $0x3  }
0x34: {  	[smem:$0x3FA7] =	sst s10  }
0x35: {  	s10 =	sld [smem:$0x3FA6];
	_ =	sdelay $0x3  }
0x36: {  	p1 =	seq.s32 s10, $0x1;
	s10 =	sld [smem:$0x3FA7];
	_ =	sdelay $0x3  }
0x37: {  	[smem:$0x3FA7] =	sst s10  }
0x38: {  	s10 =	sld [smem:$0x3FA8]  }
0x39: {  	_ = 	snop;
	(pc) =	sbr.ind lr, $3  }
0x3a: {  	_ = 	snop  }
0x3b: {  	_ = 	snop  }
0x3c: {  	p2 =	seq.s32 s10, $0x1;
	s10 =	sld [smem:$0x3FA7]  }
0x3d: {  	_ =	shalt  }
0x3e: {  	_ =	shalt  }
0x3f: {  	_ =	shalt  }
0x40: {  	_ =	shalt  }
0x41: {  	_ =	shalt  }
0x42: {  	_ =	shalt  }
0x43: {  	_ =	shalt  }
0x44: {  	_ =	shalt  }
0x45: {  	_ =	shalt  }
0x46: {  	_ =	shalt  }
0x47: {  	_ =	shalt  }
0x48: {  	_ =	shalt  }
0x49: {  	_ =	shalt  }
0x4a: {  	_ =	shalt  }
0x4b: {  	_ =	shalt  }
0x4c: {  	_ =	shalt  }
0x4d: {  	_ =	shalt  }
0x4e: {  	_ =	shalt  }
0x4f: {  	_ =	shalt  }
0x50: {  	_ =	shalt  }
0x51: {  	_ =	shalt  }
0x52: {  	_ =	shalt  }
0x53: {  	_ =	shalt  }
0x54: {  	_ =	shalt  }
0x55: {  	_ =	shalt  }
0x56: {  	_ =	shalt  }
0x57: {  	_ =	shalt  }
0x58: {  	_ =	shalt  }
0x59: {  	_ =	shalt  }
0x5a: {  	_ =	shalt  }
0x5b: {  	_ =	shalt  }
0x5c: {  	_ =	shalt  }
0x5d: {  	_ =	shalt  }
0x5e: {  	_ =	shalt  }
0x5f: {  	_ =	shalt  }
0x60: {  	_ =	shalt  }
0x61: {  	_ =	shalt  }
0x62: {  	_ =	shalt  }
0x63: {  	_ =	shalt  }
0x64: {  	_ =	shalt  }
0x65: {  	_ =	shalt  }
0x66: {  	_ =	shalt  }
0x67: {  	_ =	shalt  }
0x68: {  	_ =	shalt  }
0x69: {  	_ =	shalt  }
0x6a: {  	_ =	shalt  }
0x6b: {  	_ =	shalt  }
0x6c: {  	_ =	shalt  }
0x6d: {  	_ =	shalt  }
0x6e: {  	_ =	shalt  }
0x6f: {  	_ =	shalt  }
0x70: {  	_ =	shalt  }
0x71: {  	_ =	shalt  }
0x72: {  	_ =	shalt  }
0x73: {  	_ =	shalt  }
0x74: {  	_ =	shalt  }
0x75: {  	_ =	shalt  }
0x76: {  	_ =	shalt  }
0x77: {  	_ =	shalt  }
0x78: {  	_ =	shalt  }
0x79: {  	_ =	shalt  }
0x7a: {  	_ =	shalt  }
0x7b: {  	_ =	shalt  }
0x7c: {  	_ =	shalt  }
0x7d: {  	_ =	shalt  }
0x7e: {  	_ =	shalt  }
0x7f: {  	_ =	shalt  }
0x80: {  	_ =	shalt  }
0x81: {  	_ =	shalt  }
0x82: {  	_ =	shalt  }
0x83: {  	_ =	shalt  }
0x84: {  	_ =	shalt  }
0x85: {  	_ =	shalt  }
0x86: {  	_ =	shalt  }
0x87: {  	_ =	shalt  }
.Lfunc_end0:
.L_simem_size_0:
called_computation_lowered:
.L_overlay_start_0:
0x88: {  	s2 =	sld [smem:$0x3FD9]  }
0x89: {  	s3 =	sld [smem:$0x3FFE];
	_ =	sdelay $0x1  }
0x8a: {  	s1 =	srdreg.scid  }
0x8b: {  	s0 =	sand.u32 $0x1, s1  }
0x8c: {  	s17 =	sshll.u32 s0, $0xA;
	s2 =	sadd.s32 s3, s2  }
0x8d: {  	s2 =	sadd.s32 s2, s17  }
0x8e: {  	[smem:$0x3FB3] =	sst s2  }
0x8f: {  	_ = 	snop  }
0x90: {  	s2 =	sld [smem:$0x3FC9]  }
0x91: {  	s18 =	sld [smem:$0x3FB5];
	(tm) =	ssettm $0x1  }
0x92: {  	s4 =	sld [smem:$0x3FFB];
	_ =	sdelay $0x3  }
0x93: {  	_ =	strace s4  }
0x94: {  	s4 =	sld [smem:$0x3FFC];
	_ =	sdelay $0x3  }
0x95: {  	_ =	strace s4  }
0x96: {  	s4 =	sld [smem:$0x3FFD];
	_ =	sdelay $0x3  }
0x97: {  	_ =	strace s4  }
0x98: {  	_ =	strace $0x8FFFFFFF  }
0x99: {  	s19 =	sld [smem:$0x3FDB];
	_ =	sdelay $0x1  }
0x9a: {  	s5 =	simm.s32 $_scs_section_size  }
0x9b: {  	s6 =	simm.s32 $_size__tile_overlayer_lowered;
	s7 =	simm.s32 $_tile_overlayer_lowered  }
0x9c: {  	s22 =	simm.s32 $0x1BFF;
	s21 =	sshll.u32 s7, $0x1;
	s4 =	sadd.s32 s5, s19  }
0x9d: {  	s8 =	simm.s32 $0x0;
	s20 =	sshll.u32 s6, $0x1;
	s6 =	sadd.s32 s21, s4  }
0x9e: {  	[timem:s8], [sflag:s22] =	dma.local [hbm:s6], s20  }
0x9f: {  	_ =	swait.ge [sflag:s22], s20  }
0xa0: {  	s5 =	ssub.s32 $0x0, s20;
	[sflag:s22] =	ssyncset.done $0x0  }
0xa1: {  	[sflag:s22] =	ssyncadd.s32 s5;
	_ =	sdelay $0x1  }
0xa2: {  	s23 =	simm.s32 $0x1B8B  }
0xa3: {  	_ =	swait.ge [sflag:s23], $0x1  }
0xa4: {  	[sflag:s23] =	ssyncset.done $0x0  }
0xa5: {  	s25 =	simm.s32 $0x1B8E;
	s24 =	sld [smem:$0x3FFE];
	[sflag:s23] =	ssyncadd.s32 $0xFFFFFFFF  }
0xa6: {  	s26 =	simm.s32 $execute0_lowered;
	[smem:$0x3FD2] =	sst s25  }
0xa7: {  	s6 =	sshll.u32 s26, $0x1;
	_ =	strace $0x80000046;
	[dreg:$0x1] =	wrdreg $0xFFFFFFFF  }
0xa8: {  	s28 =	simm.s32 $_size_execute0_lowered;
	s4 =	sadd.s32 s4, s6;
	[dreg:$0x0] =	wrdreg $0x0  }
0xa9: {  	s6 =	sshll.u32 s28, $0x1;
	[dreg:$0x2] =	wrdreg s4  }
0xaa: {  	[dreg:$0x3] =	wrdreg s6  }
0xab: {  	[dreg:$0x4] =	wrdreg $0xC0  }
0xac: {  	_ =	task [dreg:s8], $0x5FFFF  }
0xad: {  	[dreg:$0x1] =	wrdreg $0xFFFFFFFF  }
0xae: {  	[dreg:$0x0] =	wrdreg $0x60  }
0xaf: {  	[dreg:$0x2] =	wrdreg s18  }
0xb0: {  	[dreg:$0x3] =	wrdreg s2  }
0xb1: {  	[dreg:$0x4] =	wrdreg s24  }
0xb2: {  	[dreg:$0x5] =	wrdreg $0x9  }
0xb3: {  	_ =	task.clear_ibuf [dreg:s8], $0x6FFFF;
	_ =	strace $0x90000046  }
0xb4: {  	s29 =	simm.s32 $0x9;
	_ =	strace $0x80000048  }
0xb5: {  	_ =	swait.ge [sflag:s29], $0x1  }
0xb6: {  	[sflag:s29] =	ssyncadd.s32 $0xFFFFFFFF  }
0xb7: {  	_ =	strace $0x90000048  }
0xb8: {  	_ =	sfence  }
0xb9: {  	s30 =	sld [smem:$0x0];
	_ =	sdelay $0x2  }
0xba: {  	s31 =	sshll.u32 s1, $0xD;
	s1 =	sshrl.u32 s1, $0x2  }
0xbb: {  	s3 =	sand.u32 $0x4000, s31;
	s1 =	sadd.s32 s1, s30  }
0xbc: {  	s0 =	sor.u32 s3, s0;
	s1 =	sshll.u32 s1, $0x11  }
0xbd: {  	s0 =	sor.u32 s1, s0  }
0xbe: {  	s0 =	sadd.s32 $0x8F2B, s0  }
0xbf: {  	[sflag:s0] =	ssyncadd.remote.s32 $0x1  }
0xc0: {  	_ =	sfence.sel $0xFFFF  }
0xc1: {  	[dreg:$0x0] =	wrdreg $0xFFFFFFFF;
	(pc) =	sbr.abs _section_cstart, $3  }
0xc2: {  	[dreg:$0x1] =	wrdreg $0xFFFFFFFF  }
0xc3: {  	_ =	task.clear_ibuf [dreg:s8], $0x2FFFF;
	_ =	strace $0x9FFFFFFF  }
0xc4: {  	(tm) =	ssettm $0x7FFFFFFF  }
0xc5: {  	_ =	shalt  }
tec
execute0_lowered:
.L_overlay_start_1:
0x0: {  	(tag) =	ssettag $0x1  }
0x1: {  	s1 =	rddreg [dreg:$0x0]  }
0x2: {  	s2 =	srdreg.scid;
	s4 =	rddreg [dreg:$0x1]  }
0x3: {  	s0 =	stileid.u32;
	s5 =	rddreg [dreg:$0x2];
	s3 =	simm.s32 $0x0  }
0x4: {  	s17 =	simm.s32 $0x880;
	s18 =	simm.s32 $0x1080;
	s19 =	simm.s32 $0x1880  }
0x5: {  	s21 =	simm.s32 $0x2080;
	s22 =	simm.s32 $0x2880;
	s23 =	simm.s32 $0x3080  }
0x6: {  	s24 =	simm.s32 $0x3880;
	s8 =	simm.s32 $0x4080;
	[smem:$0x7FF] =	sst s3  }
0x7: {  	s25 =	simm.s32 $0x4880;
	_ =	strace $0x80000047;
	[dreg:$0x6] =	wrdreg s17  }
0x8: {  	s26 =	simm.s32 $0x5080;
	s9 =	simm.s32 $0x80;
	[dreg:$0x7] =	wrdreg s18  }
0x9: {  	s11 =	simm.s32 $0x6080;
	s12 =	simm.s32 $0x6880;
	[dreg:$0x8] =	wrdreg s19  }
0xa: {  	s13 =	simm.s32 $0x7080;
	s14 =	simm.s32 $0x7880;
	[dreg:$0x9] =	wrdreg s21  }
0xb: {  	s15 =	simm.s32 $0x8080;
	s28 =	simm.s32 $0xE080;
	[dreg:$0xa] =	wrdreg s22  }
0xc: {  	s29 =	simm.s32 $0xE880;
	s30 =	simm.s32 $0xF080;
	[dreg:$0xb] =	wrdreg s23  }
0xd: {  	s31 =	simm.s32 $0xF880;
	s2 =	sand.u32 $0x1, s2;
	[dreg:$0xc] =	wrdreg s24  }
0xe: {  	s6 =	sshll.u32 s0, $0x7;
	s7 =	sshll.u32 s2, $0x6;
	[dreg:$0xd] =	wrdreg s8  }
0xf: {  	s2 =	ssub.s32 $0x2, s2;
	s8 =	simm.s32 $0x2;
	[dreg:$0xe] =	wrdreg s25  }
0x10: {  	[dreg:$0xf] =	wrdreg s26;
	s17 =	simm.s32 $0x9080;
	s18 =	simm.s32 $0x9880  }
0x11: {  	s19 =	simm.s32 $0xA080;
	s21 =	simm.s32 $0xB080;
	s22 =	simm.s32 $0xB880  }
0x12: {  	s23 =	simm.s32 $0xC080;
	s24 =	simm.s32 $0xC880;
	s25 =	simm.s32 $0xD080  }
0x13: {  	s26 =	simm.s32 $0xD880;
	s6 =	sor.u32 s7, s6;
	s20 =	sshrl.u32 s2, $0x1  }
0x14: {  	s7 =	sshll.u32 s6, $0x7;
	s6 =	sshrl.u32 s6, $0x3;
	s2 =	ssub.s32 s2, s20  }
0x15: {  	s20 =	simm.s32 $0xA880;
	s5 =	sadd.s32 s7, s5;
	s4 =	sadd.s32 s4, s6  }
0x16: {  	v2 =	vlaneseq.u32;
	s6 =	sadd.s32 $0x300, s1;
	s7 =	smax.u32 s2, $0x1;
	s2 =	simm.s32 $0x1  }
0x17: {  	vm0 =	vmmov $0xffff;
	v1 =	vshrl.u32 v2, $0x3;
	[dreg:$0x4] =	wrdreg s4;
	s16 =	sadd.s32 $0xAA00, s5;
	s4 =	sadd.s32 $0x100, s1  }
0x18: {  	v0 =	vand.u32 $0x7, v2;
	v2 =	vor.u32 $0x8, v2;
	v1 =	vmul.u32 $0x8, v1;
	s5 =	sadd.s32 $0x200, s1;
	[dreg:$0x5] =	wrdreg s16;
	s16 =	simm.s32 $0x8880  }
.LBB2_1:
0x19: {  	s0 =	rddreg [dreg:$0x4]  }
0x1a: {  	[tilespmem:s3], [sflag:$0x2] =	stream.linear.gather [hbm4b:s0+s3], $0x40, $0x38;
	[tilespmem:$0x10080] =	vst v63  }
0x1b: {  	_ =	swait.ge [sflag:s8], $0x40  }
0x1c: {  	[sflag:s8] =	ssyncset.done $0x0  }
0x1d: {  	[sflag:s8] =	ssyncadd.s32 $0xFFFFFFC0  }
0x1e: {  	v3 =	vld [tilespmem:$0x0];
	_ =	sdelay $0x4  }
0x1f: {  	v4 =	vshll.u32 v3, $0x3  }
0x20: {  	v3 =	vand.u32 $0x7, v3;
	v4 =	vand.u32 $0xFFFFFFC0, v4  }
0x21: {  	v3 =	vor.u32 v3, v4  }
0x22: {  	v4 =	vperm.xlane v3, v0;
	_ =	sdelay $0x1  }
0x23: {  	v4 =	vadd.s32 v1, v4;
	_ =	sdelay $0x4  }
0x24: {  	[tilespmem:s9], [sflag:$0x1] =	stream.indirect_vreg.gather [hbm4b:s1+s3], $0x80, v4, vm0, $0xb8;
	[tilespmem:$0x10080] =	vst v63  }
0x25: {  	s0 =	rddreg [dreg:$0x6];
	v3 =	vperm.xlane v3, v2  }
0x26: {  	[tilespmem:s0], [sflag:$0x1] =	stream.indirect_vreg.gather [hbm4b:s4+s3], $0x80, v4, vm0, $0xb8;
	[tilespmem:$0x10080] =	vst v63  }
0x27: {  	s10 =	rddreg [dreg:$0x7];
	v3 =	vadd.s32 v1, v3  }
0x28: {  	[tilespmem:s10], [sflag:$0x1] =	stream.indirect_vreg.gather [hbm4b:s5+s3], $0x80, v4, vm0, $0xb8;
	[tilespmem:$0x10080] =	vst v63  }
0x29: {  	s0 =	rddreg [dreg:$0x8]  }
0x2a: {  	[tilespmem:s0], [sflag:$0x1] =	stream.indirect_vreg.gather [hbm4b:s6+s3], $0x80, v4, vm0, $0xb8;
	[tilespmem:$0x10080] =	vst v63  }
0x2b: {  	s10 =	rddreg [dreg:$0x9]  }
0x2c: {  	[tilespmem:s10], [sflag:$0x1] =	stream.indirect_vreg.gather [hbm4b:s1+s3], $0x80, v3, vm0, $0xb8;
	[tilespmem:$0x10080] =	vst v63  }
0x2d: {  	s0 =	rddreg [dreg:$0xa]  }
0x2e: {  	[tilespmem:s0], [sflag:$0x1] =	stream.indirect_vreg.gather [hbm4b:s4+s3], $0x80, v3, vm0, $0xb8;
	[tilespmem:$0x10080] =	vst v63  }
0x2f: {  	s10 =	rddreg [dreg:$0xb]  }
0x30: {  	[tilespmem:s10], [sflag:$0x1] =	stream.indirect_vreg.gather [hbm4b:s5+s3], $0x80, v3, vm0, $0xb8;
	[tilespmem:$0x10080] =	vst v63  }
0x31: {  	s0 =	rddreg [dreg:$0xc]  }
0x32: {  	[tilespmem:s0], [sflag:$0x1] =	stream.indirect_vreg.gather [hbm4b:s6+s3], $0x80, v3, vm0, $0xb8;
	[tilespmem:$0x10080] =	vst v63  }
0x33: {  	v3 =	vld [tilespmem:$0x10];
	_ =	sdelay $0x4  }
0x34: {  	v61 =	vshll.u32 v3, $0x3  }
0x35: {  	v3 =	vand.u32 $0x7, v3;
	v4 =	vand.u32 $0xFFFFFFC0, v61  }
0x36: {  	v3 =	vor.u32 v3, v4  }
0x37: {  	v4 =	vperm.xlane v3, v0;
	_ =	sdelay $0x1  }
0x38: {  	v4 =	vadd.s32 v1, v4;
	_ =	sdelay $0x3  }
0x39: {  	s0 =	rddreg [dreg:$0xd]  }
0x3a: {  	[tilespmem:s0], [sflag:$0x1] =	stream.indirect_vreg.gather [hbm4b:s1+s3], $0x80, v4, vm0, $0xb8;
	[tilespmem:$0x10080] =	vst v63  }
0x3b: {  	s10 =	rddreg [dreg:$0xe];
	v3 =	vperm.xlane v3, v2  }
0x3c: {  	[tilespmem:s10], [sflag:$0x1] =	stream.indirect_vreg.gather [hbm4b:s4+s3], $0x80, v4, vm0, $0xb8;
	[tilespmem:$0x10080] =	vst v63  }
0x3d: {  	v3 =	vadd.s32 v1, v3;
	s0 =	rddreg [dreg:$0xf]  }
0x3e: {  	[tilespmem:s0], [sflag:$0x1] =	stream.indirect_vreg.gather [hbm4b:s5+s3], $0x80, v4, vm0, $0xb8;
	[tilespmem:$0x10080] =	vst v63  }
0x3f: {  	s10 =	simm.s32 $0x5880  }
0x40: {  	[tilespmem:s10], [sflag:$0x1] =	stream.indirect_vreg.gather [hbm4b:s6+s3], $0x80, v4, vm0, $0xb8;
	[tilespmem:$0x10080] =	vst v63  }
0x41: {  	_ = 	snop  }
0x42: {  	[tilespmem:s11], [sflag:$0x1] =	stream.indirect_vreg.gather [hbm4b:s1+s3], $0x80, v3, vm0, $0xb8;
	[tilespmem:$0x10080] =	vst v63  }
0x43: {  	_ = 	snop  }
0x44: {  	[tilespmem:s12], [sflag:$0x1] =	stream.indirect_vreg.gather [hbm4b:s4+s3], $0x80, v3, vm0, $0xb8;
	[tilespmem:$0x10080] =	vst v63  }
0x45: {  	_ = 	snop  }
0x46: {  	[tilespmem:s13], [sflag:$0x1] =	stream.indirect_vreg.gather [hbm4b:s5+s3], $0x80, v3, vm0, $0xb8;
	[tilespmem:$0x10080] =	vst v63  }
0x47: {  	_ = 	snop  }
0x48: {  	[tilespmem:s14], [sflag:$0x1] =	stream.indirect_vreg.gather [hbm4b:s6+s3], $0x80, v3, vm0, $0xb8;
	[tilespmem:$0x10080] =	vst v63  }
0x49: {  	v3 =	vld [tilespmem:$0x20];
	_ =	sdelay $0x4  }
0x4a: {  	v62 =	vshll.u32 v3, $0x3  }
0x4b: {  	v3 =	vand.u32 $0x7, v3;
	v4 =	vand.u32 $0xFFFFFFC0, v62  }
0x4c: {  	v3 =	vor.u32 v3, v4  }
0x4d: {  	v4 =	vperm.xlane v3, v0;
	_ =	sdelay $0x1  }
0x4e: {  	v4 =	vadd.s32 v1, v4;
	_ =	sdelay $0x4  }
0x4f: {  	[tilespmem:s15], [sflag:$0x1] =	stream.indirect_vreg.gather [hbm4b:s1+s3], $0x80, v4, vm0, $0xb8;
	[tilespmem:$0x10080] =	vst v63  }
0x50: {  	v3 =	vperm.xlane v3, v2  }
0x51: {  	[tilespmem:s16], [sflag:$0x1] =	stream.indirect_vreg.gather [hbm4b:s4+s3], $0x80, v4, vm0, $0xb8;
	[tilespmem:$0x10080] =	vst v63  }
0x52: {  	v3 =	vadd.s32 v1, v3  }
0x53: {  	[tilespmem:s17], [sflag:$0x1] =	stream.indirect_vreg.gather [hbm4b:s5+s3], $0x80, v4, vm0, $0xb8;
	[tilespmem:$0x10080] =	vst v63  }
0x54: {  	_ = 	snop  }
0x55: {  	[tilespmem:s18], [sflag:$0x1] =	stream.indirect_vreg.gather [hbm4b:s6+s3], $0x80, v4, vm0, $0xb8;
	[tilespmem:$0x10080] =	vst v63  }
0x56: {  	_ = 	snop  }
0x57: {  	[tilespmem:s19], [sflag:$0x1] =	stream.indirect_vreg.gather [hbm4b:s1+s3], $0x80, v3, vm0, $0xb8;
	[tilespmem:$0x10080] =	vst v63  }
0x58: {  	_ = 	snop  }
0x59: {  	[tilespmem:s20], [sflag:$0x1] =	stream.indirect_vreg.gather [hbm4b:s4+s3], $0x80, v3, vm0, $0xb8;
	[tilespmem:$0x10080] =	vst v63  }
0x5a: {  	_ = 	snop  }
0x5b: {  	[tilespmem:s21], [sflag:$0x1] =	stream.indirect_vreg.gather [hbm4b:s5+s3], $0x80, v3, vm0, $0xb8;
	[tilespmem:$0x10080] =	vst v63  }
0x5c: {  	_ = 	snop  }
0x5d: {  	[tilespmem:s22], [sflag:$0x1] =	stream.indirect_vreg.gather [hbm4b:s6+s3], $0x80, v3, vm0, $0xb8;
	[tilespmem:$0x10080] =	vst v63  }
0x5e: {  	v3 =	vld [tilespmem:$0x30];
	_ =	sdelay $0x4  }
0x5f: {  	v63 =	vshll.u32 v3, $0x3  }
0x60: {  	v3 =	vand.u32 $0x7, v3;
	v4 =	vand.u32 $0xFFFFFFC0, v63  }
0x61: {  	v3 =	vor.u32 v3, v4  }
0x62: {  	v4 =	vperm.xlane v3, v0;
	_ =	sdelay $0x1  }
0x63: {  	v4 =	vadd.s32 v1, v4;
	_ =	sdelay $0x4  }
0x64: {  	[tilespmem:s23], [sflag:$0x1] =	stream.indirect_vreg.gather [hbm4b:s1+s3], $0x80, v4, vm0, $0xb8;
	[tilespmem:$0x10080] =	vst v63  }
0x65: {  	v3 =	vperm.xlane v3, v2  }
0x66: {  	[tilespmem:s24], [sflag:$0x1] =	stream.indirect_vreg.gather [hbm4b:s4+s3], $0x80, v4, vm0, $0xb8;
	[tilespmem:$0x10080] =	vst v63  }
0x67: {  	v3 =	vadd.s32 v1, v3  }
0x68: {  	[tilespmem:s25], [sflag:$0x1] =	stream.indirect_vreg.gather [hbm4b:s5+s3], $0x80, v4, vm0, $0xb8;
	[tilespmem:$0x10080] =	vst v63  }
0x69: {  	_ = 	snop  }
0x6a: {  	[tilespmem:s26], [sflag:$0x1] =	stream.indirect_vreg.gather [hbm4b:s6+s3], $0x80, v4, vm0, $0xb8;
	[tilespmem:$0x10080] =	vst v63  }
0x6b: {  	_ = 	snop  }
0x6c: {  	[tilespmem:s28], [sflag:$0x1] =	stream.indirect_vreg.gather [hbm4b:s1+s3], $0x80, v3, vm0, $0xb8;
	[tilespmem:$0x10080] =	vst v63  }
0x6d: {  	_ = 	snop  }
0x6e: {  	[tilespmem:s29], [sflag:$0x1] =	stream.indirect_vreg.gather [hbm4b:s4+s3], $0x80, v3, vm0, $0xb8;
	[tilespmem:$0x10080] =	vst v63  }
0x6f: {  	_ = 	snop  }
0x70: {  	[tilespmem:s30], [sflag:$0x1] =	stream.indirect_vreg.gather [hbm4b:s5+s3], $0x80, v3, vm0, $0xb8;
	[tilespmem:$0x10080] =	vst v63  }
0x71: {  	_ = 	snop  }
0x72: {  	[tilespmem:s31], [sflag:$0x1] =	stream.indirect_vreg.gather [hbm4b:s6+s3], $0x80, v3, vm0, $0xb8;
	[tilespmem:$0x10080] =	vst v63  }
0x73: {  	_ =	swait.ge [sflag:s2], $0x10000  }
0x74: {  	p0 =	sne.s32 s7, $0x1;
	[sflag:s2] =	ssyncset.done $0x0  }
.Ltmp0:
0x75: {  	s10 =	rddreg [dreg:$0x5];
	[sflag:s2] =	ssyncadd.s32 $0xFFFF0000;
	(pc) =	sbr.rel @p0 .LBB2_1-.Ltmp0, $4  }
0x76: {  	[hbm4b:s10+s3] =	stream.linear.scatter [tilespmem:s9], [sflag:$0x2], $0x10000, $0x38;
	[tilespmem:$0x10080] =	vst v63  }
0x77: {  	_ =	swait.ge [sflag:s8], $0x10000  }
0x78: {  	[sflag:s8] =	ssyncset.done $0x0  }
0x79: {  	s7 =	sadd.s32 $0xFFFFFFFF, s7;
	[sflag:s8] =	ssyncadd.s32 $0xFFFF0000  }
0x7a: {  	_ =	sfence.sel $0x180000  }
0x7b: {  	[bflag:$0x0] =	sbarrier.arrive $0xFFFF  }
0x7c: {  	_ =	strace $0x90000047  }
0x7d: {  	s0 =	stileid.u32;
	[bflag:$0x2] =	sbarrier.arrive $0xFFFF  }
0x7e: {  	p0 =	sne.s32 s0, $0x0;
	s0 =	rddreg [dreg:$0x3]  }
0x7f: {  	s0 =	sadd.s32 @!p0 $0x100000, s0  }
0x80: {  	[sflag:s0] =	ssyncadd.tile.s32 @!p0 $0x1;
	_ =	shalt  }
.Lfunc_end2:
_tile_overlayer_lowered:
.L_overlay_start_2:
0x81: {  	(tag) =	ssettag $0x2  }
0x82: {  	s0 =	rddreg [dreg:$0x0];
	s2 =	stileid.u32  }
0x83: {  	s1 =	rddreg [dreg:$0x1];
	p0 =	sne.s32 s2, $0x0  }
0x84: {  	s3 =	rddreg [dreg:$0x2];
	[bflag:$0x3] =	sbarrier.arrive $0xFFFF;
	s2 =	simm.s32 @!p0 $0x1C02  }
0x85: {  	[timem:s3], [sflag:s2] =	dma.local @!p0 [hbm:s0], s1  }
0x86: {  	s0 =	simm.s32 @!p0 $0x2  }
0x87: {  	_ =	swait.ge @!p0 [sflag:s0], s1  }
0x88: {  	s1 =	ssub.s32 @!p0 $0x0, s1;
	[sflag:s0] =	ssyncset.done @!p0 $0x0  }
0x89: {  	[sflag:s0] =	ssyncadd.s32 @!p0 s1  }
0x8a: {  	[bflag:$0x3] =	sbarrier.arrive $0xFFFF  }
0x8b: {  	_ =	shalt  }

</sc_bundles>
